<compile_context>
chip_gen: v7x
topology: tpu7x:2x2x1
jax: 0.10.2.dev20260603
libtpu: 0.0.44.dev20260713+nightly
codegen_flags: <defaults>
</compile_context>

<pallas_src>
import functools

import jax
import jax.numpy as jnp
from jax import lax
from jax.experimental import pallas as pl
from jax.experimental.pallas import tpu as pltpu
from jax.experimental.pallas import tpu_sc as plsc

B, L = 1024, 200
N = B * L
STATE_DIM = 32
TOK_DIM = 32
FIN_DIM = 16
TRAFO_DIM = 128

NC, NS = 2, 16
NW = NC * NS
NTILE = N // NW
CH = 256
IDX_LANES = 128
IDX_ROWS = CH // IDX_LANES
STEPS = NTILE // CH
IDX_ROWS_TILE = NTILE // IDX_LANES

_mesh = plsc.VectorSubcoreMesh(core_axis_name="c", subcore_axis_name="s")

_COLS = (0, 3, 1, 2)


@functools.partial(
    pl.kernel,
    mesh=_mesh,
    compiler_params=pltpu.CompilerParams(use_tc_tiling_on_sc=False),
    out_type=(
        jax.ShapeDtypeStruct((N, 4 * STATE_DIM), jnp.float32),
        jax.ShapeDtypeStruct((N, FIN_DIM), jnp.float32),
    ),
    scratch_types=(
        [pltpu.VMEM((5, IDX_ROWS_TILE, IDX_LANES), jnp.int32)]
        + [pltpu.VMEM((CH, STATE_DIM), jnp.float32) for _ in range(4)]
        + [pltpu.VMEM((CH, FIN_DIM), jnp.float32)]
        + [pltpu.SemaphoreType.DMA]
    ),
)
def _sc_gather(idx_hbm, state_hbm, token_hbm, final_hbm,
               g4x, g_fin,
               idx_v, r0, r1, r2, r3, r_fin, sem):
    wid = lax.axis_index("s") * NC + lax.axis_index("c")
    tbase = wid * NTILE
    trow = wid * IDX_ROWS_TILE

    tables = (state_hbm, state_hbm, token_hbm, token_hbm)
    rbufs = (r0, r1, r2, r3)

    for col in range(5):
        pltpu.sync_copy(idx_hbm.at[col, pl.ds(trow, IDX_ROWS_TILE)],
                        idx_v.at[col])

    def step(k, carry):
        base = tbase + k * CH
        row = k * IDX_ROWS
        copies = []
        for t in range(4):
            for j in range(IDX_ROWS):
                copies.append(pltpu.async_copy(
                    tables[t].at[idx_v.at[_COLS[t], row + j]],
                    rbufs[t].at[pl.ds(j * IDX_LANES, IDX_LANES)], sem))
        for j in range(IDX_ROWS):
            copies.append(pltpu.async_copy(
                final_hbm.at[idx_v.at[4, row + j]],
                r_fin.at[pl.ds(j * IDX_LANES, IDX_LANES)], sem))
        for c in copies:
            c.wait()
        for t in range(4):
            pltpu.sync_copy(
                rbufs[t],
                g4x.at[pl.ds(base, CH), pl.ds(t * STATE_DIM, STATE_DIM)])
        pltpu.sync_copy(r_fin, g_fin.at[pl.ds(base, CH)])
        return carry

    lax.fori_loop(0, STEPS, step, 0)


M_BLK = 2048


def _mm_body(g4x, gfin, w_ref, b_ref, o_ref):
    acc = jnp.dot(g4x[...], w_ref[0:128, :], preferred_element_type=jnp.float32)
    acc += jnp.dot(gfin[...], w_ref[128:144, :], preferred_element_type=jnp.float32)
    o_ref[...] = acc + b_ref[...]


_matmul = pl.pallas_call(
    _mm_body,
    grid=(N // M_BLK,),
    in_specs=[
        pl.BlockSpec((M_BLK, 4 * STATE_DIM), lambda i: (i, 0)),
        pl.BlockSpec((M_BLK, FIN_DIM), lambda i: (i, 0)),
        pl.BlockSpec((144, TRAFO_DIM), lambda i: (0, 0)),
        pl.BlockSpec((1, TRAFO_DIM), lambda i: (0, 0)),
    ],
    out_specs=pl.BlockSpec((M_BLK, TRAFO_DIM), lambda i: (i, 0)),
    out_shape=jax.ShapeDtypeStruct((N, TRAFO_DIM), jnp.float32),
)


def kernel(fst_rep, state_table, token_table, final_table, W, b):
    idx = fst_rep.reshape(N, 5).T.reshape(5, N // IDX_LANES, IDX_LANES)
    g4x, g_fin = _sc_gather(idx, state_table, token_table, final_table)
    out = _matmul(g4x, g_fin, W, b.reshape(1, TRAFO_DIM))
    return out.reshape(B, L, TRAFO_DIM)

# --- scband reference (transcript-rebuilt; emitter-appended) ---
"""Pipeline reference for scband-simple-fstembedder-89824946029107 (READ-ONLY COPY).

The authoritative reference and input builder live on the scoring server;
editing this copy changes nothing except your own understanding.
"""

import jax, jax.numpy as jnp
import numpy as np

B, L = 1024, 200
N_STATES = 1000000
VOCAB = 1000000
N_FINAL = 1000000
STATE_DIM = 32
TOK_DIM = 32
FIN_DIM = 16
TRAFO_DIM = 128
CAT_DIM = STATE_DIM * 2 + TOK_DIM * 2 + FIN_DIM  # 144


def setup_inputs(seed: int = 0) -> dict:
    key = jax.random.key(seed)
    ks = jax.random.split(key, 6)
    # fst_rep columns: [from_state, in_token, out_token, to_state, final_state_info]
    fst_rep = jax.random.randint(ks[0], (B, L, 5), 0, N_STATES, dtype=jnp.int32)
    state_table = jax.random.normal(ks[1], (N_STATES, STATE_DIM), dtype=jnp.float32) * 0.02
    token_table = jax.random.normal(ks[2], (VOCAB, TOK_DIM), dtype=jnp.float32) * 0.02
    final_table = jax.random.normal(ks[3], (N_FINAL, FIN_DIM), dtype=jnp.float32) * 0.02
    W = jax.random.normal(ks[4], (CAT_DIM, TRAFO_DIM), dtype=jnp.float32) * (1.0 / np.sqrt(CAT_DIM))
    b = jnp.zeros((TRAFO_DIM,), dtype=jnp.float32)
    return {"fst_rep": fst_rep, "state_table": state_table, "token_table": token_table,
            "final_table": final_table, "W": W, "b": b}


def reference(fst_rep, state_table, token_table, final_table, W, b):
    # from_rep = state_embeddings(fst_rep[:, :, 0])
    from_rep = jnp.take(state_table, fst_rep[:, :, 0], axis=0)
    # to_rep = state_embeddings(fst_rep[:, :, 3])
    to_rep = jnp.take(state_table, fst_rep[:, :, 3], axis=0)
    # io_rep = token_embeddings(fst_rep[:, :, 1:3]) then flatten from dim 2
    io_rep = jnp.take(token_table, fst_rep[:, :, 1:3], axis=0)
    io_rep = io_rep.reshape(io_rep.shape[0], io_rep.shape[1], -1)
    # final_state path (fst_rep.shape[-1] == 5)
    final_rep = jnp.take(final_table, fst_rep[:, :, 4], axis=0)
    flat = jnp.concatenate([from_rep, to_rep, io_rep, final_rep], axis=2)
    # mlp_hidden_dim is None -> single input_layer linear (dropout absent on this path)
    fst_embed = flat @ W + b
    return fst_embed

if __name__ == "__main__":
    import jax
    _d = setup_inputs()
    print(jax.jit(kernel)(*tuple(_d.values())))

</pallas_src>

<mosaic_0001>
#map = affine_map<(d0, d1) -> (0, 0, 0)>
#map1 = affine_map<(d0, d1) -> (0, 0)>
module attributes {stable_mosaic.version = 14 : i64} {
  func.func @_sc_gather(%arg0: i32, %arg1: i32, %arg2: memref<5x1600x128xi32, #tpu.memory_space<hbm>>, %arg3: memref<1000000x32xf32, #tpu.memory_space<hbm>>, %arg4: memref<1000000x32xf32, #tpu.memory_space<hbm>>, %arg5: memref<1000000x16xf32, #tpu.memory_space<hbm>>, %arg6: memref<204800x128xf32, #tpu.memory_space<hbm>>, %arg7: memref<204800x16xf32, #tpu.memory_space<hbm>>, %arg8: memref<5x50x128xi32, #tpu.memory_space<vmem>>, %arg9: memref<256x32xf32, #tpu.memory_space<vmem>>, %arg10: memref<256x32xf32, #tpu.memory_space<vmem>>, %arg11: memref<256x32xf32, #tpu.memory_space<vmem>>, %arg12: memref<256x32xf32, #tpu.memory_space<vmem>>, %arg13: memref<256x16xf32, #tpu.memory_space<vmem>>, %arg14: memref<!tpu.dma_semaphore, #tpu.memory_space<semaphore_mem>>) attributes {dimension_semantics = [#tpu.dimension_semantics<core_parallel>, #tpu.dimension_semantics<subcore_parallel>], iteration_bounds = array<i64: 2, 16>, scalar_prefetch = 0 : i64, scratch_operands = 7 : i64, tpu.core_type = #tpu.core_type<sc_vector_subcore>, window_params = [{transform_indices = #map}, {transform_indices = #map1}, {transform_indices = #map1}, {transform_indices = #map1}, {transform_indices = #map1}, {transform_indices = #map1}]} {
    %mul3A = arith.constant 2 : i32
    %mul3A_0 = arith.muli %arg1, %mul3A : i32
    %add3A = arith.addi %mul3A_0, %arg0 : i32
    %mul3A_1 = arith.constant 6400 : i32
    %mul3A_2 = arith.muli %add3A, %mul3A_1 : i32
    %mul3A_3 = arith.constant 50 : i32
    %mul3A_4 = arith.muli %add3A, %mul3A_3 : i32
    %run_scoped3A = arith.constant 0 : i32
    %run_scoped3A_5 = arith.constant 0 : i32
    "tpu.region"() ({
      %run_scoped3A_19 = tpu.sem_alloc : memref<!tpu.dma_semaphore, #tpu.memory_space<semaphore_mem>>
      %dma_start3A = arith.constant 0 : i32
      %dma_start3A_20 = arith.constant 0 : i32
      %dma_start3A_21 = tpu.memref_slice %arg8[%run_scoped3A_5, %dma_start3A, %dma_start3A_20] : memref<5x50x128xi32, #tpu.memory_space<vmem>> -> memref<1x50x128xi32, #tpu.memory_space<vmem>>
      %dma_start3A_22 = tpu.memref_squeeze %dma_start3A_21 : memref<1x50x128xi32, #tpu.memory_space<vmem>> -> memref<50x128xi32, #tpu.memory_space<vmem>>
      %dma_start3A_23 = arith.constant 0 : i32
      %dma_start3A_24 = tpu.memref_slice %arg2[%run_scoped3A, %mul3A_4, %dma_start3A_23] : memref<5x1600x128xi32, #tpu.memory_space<hbm>> -> memref<1x50x128xi32, #tpu.memory_space<hbm>>
      %dma_start3A_25 = tpu.memref_squeeze %dma_start3A_24 : memref<1x50x128xi32, #tpu.memory_space<hbm>> -> memref<50x128xi32, #tpu.memory_space<hbm>>
      %dma_start3A_26 = arith.constant 0 : i32
      %dma_start3A_27 = arith.constant 0 : i32
      %dma_start3A_28 = tpu.memref_slice %arg8[%run_scoped3A_5, %dma_start3A_26, %dma_start3A_27] : memref<5x50x128xi32, #tpu.memory_space<vmem>> -> memref<1x50x128xi32, #tpu.memory_space<vmem>>
      %dma_start3A_29 = tpu.memref_squeeze %dma_start3A_28 : memref<1x50x128xi32, #tpu.memory_space<vmem>> -> memref<50x128xi32, #tpu.memory_space<vmem>>
      %dma_start3A_30 = arith.constant 0 : i32
      %dma_start3A_31 = tpu.memref_slice %arg2[%run_scoped3A, %mul3A_4, %dma_start3A_30] : memref<5x1600x128xi32, #tpu.memory_space<hbm>> -> memref<1x50x128xi32, #tpu.memory_space<hbm>>
      %dma_start3A_32 = tpu.memref_squeeze %dma_start3A_31 : memref<1x50x128xi32, #tpu.memory_space<hbm>> -> memref<50x128xi32, #tpu.memory_space<hbm>>
      tpu.enqueue_dma source(%dma_start3A_32 : memref<50x128xi32, #tpu.memory_space<hbm>>) target(%dma_start3A_29 : memref<50x128xi32, #tpu.memory_space<vmem>>) target_semaphore(%run_scoped3A_19 : memref<!tpu.dma_semaphore, #tpu.memory_space<semaphore_mem>>)
      %dma_wait3A = arith.constant 0 : i32
      %dma_wait3A_33 = arith.constant 0 : i32
      %dma_wait3A_34 = tpu.memref_slice %arg8[%run_scoped3A_5, %dma_wait3A, %dma_wait3A_33] : memref<5x50x128xi32, #tpu.memory_space<vmem>> -> memref<1x50x128xi32, #tpu.memory_space<vmem>>
      %dma_wait3A_35 = tpu.memref_squeeze %dma_wait3A_34 : memref<1x50x128xi32, #tpu.memory_space<vmem>> -> memref<50x128xi32, #tpu.memory_space<vmem>>
      %dma_wait3A_36 = arith.constant 0 : i32
      %dma_wait3A_37 = tpu.memref_slice %arg2[%run_scoped3A, %mul3A_4, %dma_wait3A_36] : memref<5x1600x128xi32, #tpu.memory_space<hbm>> -> memref<1x50x128xi32, #tpu.memory_space<hbm>>
      %dma_wait3A_38 = tpu.memref_squeeze %dma_wait3A_37 : memref<1x50x128xi32, #tpu.memory_space<hbm>> -> memref<50x128xi32, #tpu.memory_space<hbm>>
      %dma_wait3A_39 = arith.constant 0 : i32
      %dma_wait3A_40 = arith.constant 0 : i32
      %dma_wait3A_41 = tpu.memref_slice %arg8[%run_scoped3A_5, %dma_wait3A_39, %dma_wait3A_40] : memref<5x50x128xi32, #tpu.memory_space<vmem>> -> memref<1x50x128xi32, #tpu.memory_space<vmem>>
      %dma_wait3A_42 = tpu.memref_squeeze %dma_wait3A_41 : memref<1x50x128xi32, #tpu.memory_space<vmem>> -> memref<50x128xi32, #tpu.memory_space<vmem>>
      %dma_wait3A_43 = arith.constant 0 : i32
      %dma_wait3A_44 = tpu.memref_slice %arg2[%run_scoped3A, %mul3A_4, %dma_wait3A_43] : memref<5x1600x128xi32, #tpu.memory_space<hbm>> -> memref<1x50x128xi32, #tpu.memory_space<hbm>>
      %dma_wait3A_45 = tpu.memref_squeeze %dma_wait3A_44 : memref<1x50x128xi32, #tpu.memory_space<hbm>> -> memref<50x128xi32, #tpu.memory_space<hbm>>
      tpu.wait_dma2 semaphore(%run_scoped3A_19 : memref<!tpu.dma_semaphore, #tpu.memory_space<semaphore_mem>>) src(%dma_wait3A_45 : memref<50x128xi32, #tpu.memory_space<hbm>>) dst(%dma_wait3A_42 : memref<50x128xi32, #tpu.memory_space<vmem>>)
      tpu.yield
    }) : () -> ()
    %run_scoped3A_6 = arith.constant 1 : i32
    %run_scoped3A_7 = arith.constant 1 : i32
    "tpu.region"() ({
      %run_scoped3A_19 = tpu.sem_alloc : memref<!tpu.dma_semaphore, #tpu.memory_space<semaphore_mem>>
      %dma_start3A = arith.constant 0 : i32
      %dma_start3A_20 = arith.constant 0 : i32
      %dma_start3A_21 = tpu.memref_slice %arg8[%run_scoped3A_7, %dma_start3A, %dma_start3A_20] : memref<5x50x128xi32, #tpu.memory_space<vmem>> -> memref<1x50x128xi32, #tpu.memory_space<vmem>>
      %dma_start3A_22 = tpu.memref_squeeze %dma_start3A_21 : memref<1x50x128xi32, #tpu.memory_space<vmem>> -> memref<50x128xi32, #tpu.memory_space<vmem>>
      %dma_start3A_23 = arith.constant 0 : i32
      %dma_start3A_24 = tpu.memref_slice %arg2[%run_scoped3A_6, %mul3A_4, %dma_start3A_23] : memref<5x1600x128xi32, #tpu.memory_space<hbm>> -> memref<1x50x128xi32, #tpu.memory_space<hbm>>
      %dma_start3A_25 = tpu.memref_squeeze %dma_start3A_24 : memref<1x50x128xi32, #tpu.memory_space<hbm>> -> memref<50x128xi32, #tpu.memory_space<hbm>>
      %dma_start3A_26 = arith.constant 0 : i32
      %dma_start3A_27 = arith.constant 0 : i32
      %dma_start3A_28 = tpu.memref_slice %arg8[%run_scoped3A_7, %dma_start3A_26, %dma_start3A_27] : memref<5x50x128xi32, #tpu.memory_space<vmem>> -> memref<1x50x128xi32, #tpu.memory_space<vmem>>
      %dma_start3A_29 = tpu.memref_squeeze %dma_start3A_28 : memref<1x50x128xi32, #tpu.memory_space<vmem>> -> memref<50x128xi32, #tpu.memory_space<vmem>>
      %dma_start3A_30 = arith.constant 0 : i32
      %dma_start3A_31 = tpu.memref_slice %arg2[%run_scoped3A_6, %mul3A_4, %dma_start3A_30] : memref<5x1600x128xi32, #tpu.memory_space<hbm>> -> memref<1x50x128xi32, #tpu.memory_space<hbm>>
      %dma_start3A_32 = tpu.memref_squeeze %dma_start3A_31 : memref<1x50x128xi32, #tpu.memory_space<hbm>> -> memref<50x128xi32, #tpu.memory_space<hbm>>
      tpu.enqueue_dma source(%dma_start3A_32 : memref<50x128xi32, #tpu.memory_space<hbm>>) target(%dma_start3A_29 : memref<50x128xi32, #tpu.memory_space<vmem>>) target_semaphore(%run_scoped3A_19 : memref<!tpu.dma_semaphore, #tpu.memory_space<semaphore_mem>>)
      %dma_wait3A = arith.constant 0 : i32
      %dma_wait3A_33 = arith.constant 0 : i32
      %dma_wait3A_34 = tpu.memref_slice %arg8[%run_scoped3A_7, %dma_wait3A, %dma_wait3A_33] : memref<5x50x128xi32, #tpu.memory_space<vmem>> -> memref<1x50x128xi32, #tpu.memory_space<vmem>>
      %dma_wait3A_35 = tpu.memref_squeeze %dma_wait3A_34 : memref<1x50x128xi32, #tpu.memory_space<vmem>> -> memref<50x128xi32, #tpu.memory_space<vmem>>
      %dma_wait3A_36 = arith.constant 0 : i32
      %dma_wait3A_37 = tpu.memref_slice %arg2[%run_scoped3A_6, %mul3A_4, %dma_wait3A_36] : memref<5x1600x128xi32, #tpu.memory_space<hbm>> -> memref<1x50x128xi32, #tpu.memory_space<hbm>>
      %dma_wait3A_38 = tpu.memref_squeeze %dma_wait3A_37 : memref<1x50x128xi32, #tpu.memory_space<hbm>> -> memref<50x128xi32, #tpu.memory_space<hbm>>
      %dma_wait3A_39 = arith.constant 0 : i32
      %dma_wait3A_40 = arith.constant 0 : i32
      %dma_wait3A_41 = tpu.memref_slice %arg8[%run_scoped3A_7, %dma_wait3A_39, %dma_wait3A_40] : memref<5x50x128xi32, #tpu.memory_space<vmem>> -> memref<1x50x128xi32, #tpu.memory_space<vmem>>
      %dma_wait3A_42 = tpu.memref_squeeze %dma_wait3A_41 : memref<1x50x128xi32, #tpu.memory_space<vmem>> -> memref<50x128xi32, #tpu.memory_space<vmem>>
      %dma_wait3A_43 = arith.constant 0 : i32
      %dma_wait3A_44 = tpu.memref_slice %arg2[%run_scoped3A_6, %mul3A_4, %dma_wait3A_43] : memref<5x1600x128xi32, #tpu.memory_space<hbm>> -> memref<1x50x128xi32, #tpu.memory_space<hbm>>
      %dma_wait3A_45 = tpu.memref_squeeze %dma_wait3A_44 : memref<1x50x128xi32, #tpu.memory_space<hbm>> -> memref<50x128xi32, #tpu.memory_space<hbm>>
      tpu.wait_dma2 semaphore(%run_scoped3A_19 : memref<!tpu.dma_semaphore, #tpu.memory_space<semaphore_mem>>) src(%dma_wait3A_45 : memref<50x128xi32, #tpu.memory_space<hbm>>) dst(%dma_wait3A_42 : memref<50x128xi32, #tpu.memory_space<vmem>>)
      tpu.yield
    }) : () -> ()
    %run_scoped3A_8 = arith.constant 2 : i32
    %run_scoped3A_9 = arith.constant 2 : i32
    "tpu.region"() ({
      %run_scoped3A_19 = tpu.sem_alloc : memref<!tpu.dma_semaphore, #tpu.memory_space<semaphore_mem>>
      %dma_start3A = arith.constant 0 : i32
      %dma_start3A_20 = arith.constant 0 : i32
      %dma_start3A_21 = tpu.memref_slice %arg8[%run_scoped3A_9, %dma_start3A, %dma_start3A_20] : memref<5x50x128xi32, #tpu.memory_space<vmem>> -> memref<1x50x128xi32, #tpu.memory_space<vmem>>
      %dma_start3A_22 = tpu.memref_squeeze %dma_start3A_21 : memref<1x50x128xi32, #tpu.memory_space<vmem>> -> memref<50x128xi32, #tpu.memory_space<vmem>>
      %dma_start3A_23 = arith.constant 0 : i32
      %dma_start3A_24 = tpu.memref_slice %arg2[%run_scoped3A_8, %mul3A_4, %dma_start3A_23] : memref<5x1600x128xi32, #tpu.memory_space<hbm>> -> memref<1x50x128xi32, #tpu.memory_space<hbm>>
      %dma_start3A_25 = tpu.memref_squeeze %dma_start3A_24 : memref<1x50x128xi32, #tpu.memory_space<hbm>> -> memref<50x128xi32, #tpu.memory_space<hbm>>
      %dma_start3A_26 = arith.constant 0 : i32
      %dma_start3A_27 = arith.constant 0 : i32
      %dma_start3A_28 = tpu.memref_slice %arg8[%run_scoped3A_9, %dma_start3A_26, %dma_start3A_27] : memref<5x50x128xi32, #tpu.memory_space<vmem>> -> memref<1x50x128xi32, #tpu.memory_space<vmem>>
      %dma_start3A_29 = tpu.memref_squeeze %dma_start3A_28 : memref<1x50x128xi32, #tpu.memory_space<vmem>> -> memref<50x128xi32, #tpu.memory_space<vmem>>
      %dma_start3A_30 = arith.constant 0 : i32
      %dma_start3A_31 = tpu.memref_slice %arg2[%run_scoped3A_8, %mul3A_4, %dma_start3A_30] : memref<5x1600x128xi32, #tpu.memory_space<hbm>> -> memref<1x50x128xi32, #tpu.memory_space<hbm>>
      %dma_start3A_32 = tpu.memref_squeeze %dma_start3A_31 : memref<1x50x128xi32, #tpu.memory_space<hbm>> -> memref<50x128xi32, #tpu.memory_space<hbm>>
      tpu.enqueue_dma source(%dma_start3A_32 : memref<50x128xi32, #tpu.memory_space<hbm>>) target(%dma_start3A_29 : memref<50x128xi32, #tpu.memory_space<vmem>>) target_semaphore(%run_scoped3A_19 : memref<!tpu.dma_semaphore, #tpu.memory_space<semaphore_mem>>)
      %dma_wait3A = arith.constant 0 : i32
      %dma_wait3A_33 = arith.constant 0 : i32
      %dma_wait3A_34 = tpu.memref_slice %arg8[%run_scoped3A_9, %dma_wait3A, %dma_wait3A_33] : memref<5x50x128xi32, #tpu.memory_space<vmem>> -> memref<1x50x128xi32, #tpu.memory_space<vmem>>
      %dma_wait3A_35 = tpu.memref_squeeze %dma_wait3A_34 : memref<1x50x128xi32, #tpu.memory_space<vmem>> -> memref<50x128xi32, #tpu.memory_space<vmem>>
      %dma_wait3A_36 = arith.constant 0 : i32
      %dma_wait3A_37 = tpu.memref_slice %arg2[%run_scoped3A_8, %mul3A_4, %dma_wait3A_36] : memref<5x1600x128xi32, #tpu.memory_space<hbm>> -> memref<1x50x128xi32, #tpu.memory_space<hbm>>
      %dma_wait3A_38 = tpu.memref_squeeze %dma_wait3A_37 : memref<1x50x128xi32, #tpu.memory_space<hbm>> -> memref<50x128xi32, #tpu.memory_space<hbm>>
      %dma_wait3A_39 = arith.constant 0 : i32
      %dma_wait3A_40 = arith.constant 0 : i32
      %dma_wait3A_41 = tpu.memref_slice %arg8[%run_scoped3A_9, %dma_wait3A_39, %dma_wait3A_40] : memref<5x50x128xi32, #tpu.memory_space<vmem>> -> memref<1x50x128xi32, #tpu.memory_space<vmem>>
      %dma_wait3A_42 = tpu.memref_squeeze %dma_wait3A_41 : memref<1x50x128xi32, #tpu.memory_space<vmem>> -> memref<50x128xi32, #tpu.memory_space<vmem>>
      %dma_wait3A_43 = arith.constant 0 : i32
      %dma_wait3A_44 = tpu.memref_slice %arg2[%run_scoped3A_8, %mul3A_4, %dma_wait3A_43] : memref<5x1600x128xi32, #tpu.memory_space<hbm>> -> memref<1x50x128xi32, #tpu.memory_space<hbm>>
      %dma_wait3A_45 = tpu.memref_squeeze %dma_wait3A_44 : memref<1x50x128xi32, #tpu.memory_space<hbm>> -> memref<50x128xi32, #tpu.memory_space<hbm>>
      tpu.wait_dma2 semaphore(%run_scoped3A_19 : memref<!tpu.dma_semaphore, #tpu.memory_space<semaphore_mem>>) src(%dma_wait3A_45 : memref<50x128xi32, #tpu.memory_space<hbm>>) dst(%dma_wait3A_42 : memref<50x128xi32, #tpu.memory_space<vmem>>)
      tpu.yield
    }) : () -> ()
    %run_scoped3A_10 = arith.constant 3 : i32
    %run_scoped3A_11 = arith.constant 3 : i32
    "tpu.region"() ({
      %run_scoped3A_19 = tpu.sem_alloc : memref<!tpu.dma_semaphore, #tpu.memory_space<semaphore_mem>>
      %dma_start3A = arith.constant 0 : i32
      %dma_start3A_20 = arith.constant 0 : i32
      %dma_start3A_21 = tpu.memref_slice %arg8[%run_scoped3A_11, %dma_start3A, %dma_start3A_20] : memref<5x50x128xi32, #tpu.memory_space<vmem>> -> memref<1x50x128xi32, #tpu.memory_space<vmem>>
      %dma_start3A_22 = tpu.memref_squeeze %dma_start3A_21 : memref<1x50x128xi32, #tpu.memory_space<vmem>> -> memref<50x128xi32, #tpu.memory_space<vmem>>
      %dma_start3A_23 = arith.constant 0 : i32
      %dma_start3A_24 = tpu.memref_slice %arg2[%run_scoped3A_10, %mul3A_4, %dma_start3A_23] : memref<5x1600x128xi32, #tpu.memory_space<hbm>> -> memref<1x50x128xi32, #tpu.memory_space<hbm>>
      %dma_start3A_25 = tpu.memref_squeeze %dma_start3A_24 : memref<1x50x128xi32, #tpu.memory_space<hbm>> -> memref<50x128xi32, #tpu.memory_space<hbm>>
      %dma_start3A_26 = arith.constant 0 : i32
      %dma_start3A_27 = arith.constant 0 : i32
      %dma_start3A_28 = tpu.memref_slice %arg8[%run_scoped3A_11, %dma_start3A_26, %dma_start3A_27] : memref<5x50x128xi32, #tpu.memory_space<vmem>> -> memref<1x50x128xi32, #tpu.memory_space<vmem>>
      %dma_start3A_29 = tpu.memref_squeeze %dma_start3A_28 : memref<1x50x128xi32, #tpu.memory_space<vmem>> -> memref<50x128xi32, #tpu.memory_space<vmem>>
      %dma_start3A_30 = arith.constant 0 : i32
      %dma_start3A_31 = tpu.memref_slice %arg2[%run_scoped3A_10, %mul3A_4, %dma_start3A_30] : memref<5x1600x128xi32, #tpu.memory_space<hbm>> -> memref<1x50x128xi32, #tpu.memory_space<hbm>>
      %dma_start3A_32 = tpu.memref_squeeze %dma_start3A_31 : memref<1x50x128xi32, #tpu.memory_space<hbm>> -> memref<50x128xi32, #tpu.memory_space<hbm>>
      tpu.enqueue_dma source(%dma_start3A_32 : memref<50x128xi32, #tpu.memory_space<hbm>>) target(%dma_start3A_29 : memref<50x128xi32, #tpu.memory_space<vmem>>) target_semaphore(%run_scoped3A_19 : memref<!tpu.dma_semaphore, #tpu.memory_space<semaphore_mem>>)
      %dma_wait3A = arith.constant 0 : i32
      %dma_wait3A_33 = arith.constant 0 : i32
      %dma_wait3A_34 = tpu.memref_slice %arg8[%run_scoped3A_11, %dma_wait3A, %dma_wait3A_33] : memref<5x50x128xi32, #tpu.memory_space<vmem>> -> memref<1x50x128xi32, #tpu.memory_space<vmem>>
      %dma_wait3A_35 = tpu.memref_squeeze %dma_wait3A_34 : memref<1x50x128xi32, #tpu.memory_space<vmem>> -> memref<50x128xi32, #tpu.memory_space<vmem>>
      %dma_wait3A_36 = arith.constant 0 : i32
      %dma_wait3A_37 = tpu.memref_slice %arg2[%run_scoped3A_10, %mul3A_4, %dma_wait3A_36] : memref<5x1600x128xi32, #tpu.memory_space<hbm>> -> memref<1x50x128xi32, #tpu.memory_space<hbm>>
      %dma_wait3A_38 = tpu.memref_squeeze %dma_wait3A_37 : memref<1x50x128xi32, #tpu.memory_space<hbm>> -> memref<50x128xi32, #tpu.memory_space<hbm>>
      %dma_wait3A_39 = arith.constant 0 : i32
      %dma_wait3A_40 = arith.constant 0 : i32
      %dma_wait3A_41 = tpu.memref_slice %arg8[%run_scoped3A_11, %dma_wait3A_39, %dma_wait3A_40] : memref<5x50x128xi32, #tpu.memory_space<vmem>> -> memref<1x50x128xi32, #tpu.memory_space<vmem>>
      %dma_wait3A_42 = tpu.memref_squeeze %dma_wait3A_41 : memref<1x50x128xi32, #tpu.memory_space<vmem>> -> memref<50x128xi32, #tpu.memory_space<vmem>>
      %dma_wait3A_43 = arith.constant 0 : i32
      %dma_wait3A_44 = tpu.memref_slice %arg2[%run_scoped3A_10, %mul3A_4, %dma_wait3A_43] : memref<5x1600x128xi32, #tpu.memory_space<hbm>> -> memref<1x50x128xi32, #tpu.memory_space<hbm>>
      %dma_wait3A_45 = tpu.memref_squeeze %dma_wait3A_44 : memref<1x50x128xi32, #tpu.memory_space<hbm>> -> memref<50x128xi32, #tpu.memory_space<hbm>>
      tpu.wait_dma2 semaphore(%run_scoped3A_19 : memref<!tpu.dma_semaphore, #tpu.memory_space<semaphore_mem>>) src(%dma_wait3A_45 : memref<50x128xi32, #tpu.memory_space<hbm>>) dst(%dma_wait3A_42 : memref<50x128xi32, #tpu.memory_space<vmem>>)
      tpu.yield
    }) : () -> ()
    %run_scoped3A_12 = arith.constant 4 : i32
    %run_scoped3A_13 = arith.constant 4 : i32
    "tpu.region"() ({
      %run_scoped3A_19 = tpu.sem_alloc : memref<!tpu.dma_semaphore, #tpu.memory_space<semaphore_mem>>
      %dma_start3A = arith.constant 0 : i32
      %dma_start3A_20 = arith.constant 0 : i32
      %dma_start3A_21 = tpu.memref_slice %arg8[%run_scoped3A_13, %dma_start3A, %dma_start3A_20] : memref<5x50x128xi32, #tpu.memory_space<vmem>> -> memref<1x50x128xi32, #tpu.memory_space<vmem>>
      %dma_start3A_22 = tpu.memref_squeeze %dma_start3A_21 : memref<1x50x128xi32, #tpu.memory_space<vmem>> -> memref<50x128xi32, #tpu.memory_space<vmem>>
      %dma_start3A_23 = arith.constant 0 : i32
      %dma_start3A_24 = tpu.memref_slice %arg2[%run_scoped3A_12, %mul3A_4, %dma_start3A_23] : memref<5x1600x128xi32, #tpu.memory_space<hbm>> -> memref<1x50x128xi32, #tpu.memory_space<hbm>>
      %dma_start3A_25 = tpu.memref_squeeze %dma_start3A_24 : memref<1x50x128xi32, #tpu.memory_space<hbm>> -> memref<50x128xi32, #tpu.memory_space<hbm>>
      %dma_start3A_26 = arith.constant 0 : i32
      %dma_start3A_27 = arith.constant 0 : i32
      %dma_start3A_28 = tpu.memref_slice %arg8[%run_scoped3A_13, %dma_start3A_26, %dma_start3A_27] : memref<5x50x128xi32, #tpu.memory_space<vmem>> -> memref<1x50x128xi32, #tpu.memory_space<vmem>>
      %dma_start3A_29 = tpu.memref_squeeze %dma_start3A_28 : memref<1x50x128xi32, #tpu.memory_space<vmem>> -> memref<50x128xi32, #tpu.memory_space<vmem>>
      %dma_start3A_30 = arith.constant 0 : i32
      %dma_start3A_31 = tpu.memref_slice %arg2[%run_scoped3A_12, %mul3A_4, %dma_start3A_30] : memref<5x1600x128xi32, #tpu.memory_space<hbm>> -> memref<1x50x128xi32, #tpu.memory_space<hbm>>
      %dma_start3A_32 = tpu.memref_squeeze %dma_start3A_31 : memref<1x50x128xi32, #tpu.memory_space<hbm>> -> memref<50x128xi32, #tpu.memory_space<hbm>>
      tpu.enqueue_dma source(%dma_start3A_32 : memref<50x128xi32, #tpu.memory_space<hbm>>) target(%dma_start3A_29 : memref<50x128xi32, #tpu.memory_space<vmem>>) target_semaphore(%run_scoped3A_19 : memref<!tpu.dma_semaphore, #tpu.memory_space<semaphore_mem>>)
      %dma_wait3A = arith.constant 0 : i32
      %dma_wait3A_33 = arith.constant 0 : i32
      %dma_wait3A_34 = tpu.memref_slice %arg8[%run_scoped3A_13, %dma_wait3A, %dma_wait3A_33] : memref<5x50x128xi32, #tpu.memory_space<vmem>> -> memref<1x50x128xi32, #tpu.memory_space<vmem>>
      %dma_wait3A_35 = tpu.memref_squeeze %dma_wait3A_34 : memref<1x50x128xi32, #tpu.memory_space<vmem>> -> memref<50x128xi32, #tpu.memory_space<vmem>>
      %dma_wait3A_36 = arith.constant 0 : i32
      %dma_wait3A_37 = tpu.memref_slice %arg2[%run_scoped3A_12, %mul3A_4, %dma_wait3A_36] : memref<5x1600x128xi32, #tpu.memory_space<hbm>> -> memref<1x50x128xi32, #tpu.memory_space<hbm>>
      %dma_wait3A_38 = tpu.memref_squeeze %dma_wait3A_37 : memref<1x50x128xi32, #tpu.memory_space<hbm>> -> memref<50x128xi32, #tpu.memory_space<hbm>>
      %dma_wait3A_39 = arith.constant 0 : i32
      %dma_wait3A_40 = arith.constant 0 : i32
      %dma_wait3A_41 = tpu.memref_slice %arg8[%run_scoped3A_13, %dma_wait3A_39, %dma_wait3A_40] : memref<5x50x128xi32, #tpu.memory_space<vmem>> -> memref<1x50x128xi32, #tpu.memory_space<vmem>>
      %dma_wait3A_42 = tpu.memref_squeeze %dma_wait3A_41 : memref<1x50x128xi32, #tpu.memory_space<vmem>> -> memref<50x128xi32, #tpu.memory_space<vmem>>
      %dma_wait3A_43 = arith.constant 0 : i32
      %dma_wait3A_44 = tpu.memref_slice %arg2[%run_scoped3A_12, %mul3A_4, %dma_wait3A_43] : memref<5x1600x128xi32, #tpu.memory_space<hbm>> -> memref<1x50x128xi32, #tpu.memory_space<hbm>>
      %dma_wait3A_45 = tpu.memref_squeeze %dma_wait3A_44 : memref<1x50x128xi32, #tpu.memory_space<hbm>> -> memref<50x128xi32, #tpu.memory_space<hbm>>
      tpu.wait_dma2 semaphore(%run_scoped3A_19 : memref<!tpu.dma_semaphore, #tpu.memory_space<semaphore_mem>>) src(%dma_wait3A_45 : memref<50x128xi32, #tpu.memory_space<hbm>>) dst(%dma_wait3A_42 : memref<50x128xi32, #tpu.memory_space<vmem>>)
      tpu.yield
    }) : () -> ()
    %scan3A = arith.constant 0 : i32
    %scan3A_14 = arith.constant 0 : i32
    %scan3A_15 = arith.constant 25 : i32
    %scan3A_16 = arith.addi %scan3A_14, %scan3A_15 : i32
    %scan3A_17 = arith.constant 1 : i32
    scf.for %scan3A_19 = %scan3A_14 to %scan3A_16 step %scan3A_17  : i32 {
      %mul3A_20 = arith.constant 256 : i32
      %mul3A_21 = arith.muli %scan3A_19, %mul3A_20 : i32
      %add3A_22 = arith.addi %mul3A_2, %mul3A_21 : i32
      %mul3A_23 = arith.constant 2 : i32
      %mul3A_24 = arith.muli %scan3A_19, %mul3A_23 : i32
      %add3A_25 = arith.constant 0 : i32
      %add3A_26 = arith.addi %mul3A_24, %add3A_25 : i32
      %dma_start3A = arith.constant 0 : i32
      %dma_start3A_27 = arith.constant 0 : i32
      %dma_start3A_28 = arith.constant 0 : i32
      %dma_start3A_29 = tpu.memref_slice %arg9[%dma_start3A_27, %dma_start3A_28] : memref<256x32xf32, #tpu.memory_space<vmem>> -> memref<128x32xf32, #tpu.memory_space<vmem>>
      %dma_start3A_30 = arith.constant 0 : i32
      %dma_start3A_31 = tpu.memref_slice %arg8[%dma_start3A, %add3A_26, %dma_start3A_30] : memref<5x50x128xi32, #tpu.memory_space<vmem>> -> memref<1x1x128xi32, #tpu.memory_space<vmem>>
      %dma_start3A_32 = tpu.memref_squeeze %dma_start3A_31 : memref<1x1x128xi32, #tpu.memory_space<vmem>> -> memref<128xi32, #tpu.memory_space<vmem>>
      %dma_start3A_33 = arith.constant 0 : i32
      %dma_start3A_34 = arith.constant 0 : i32
      %dma_start3A_35 = tpu.memref_slice %arg3[%dma_start3A_33, %dma_start3A_34] : memref<1000000x32xf32, #tpu.memory_space<hbm>> -> memref<1000000x32xf32, #tpu.memory_space<hbm>>
      tpu.enqueue_indirect_dma source(%dma_start3A_35 : memref<1000000x32xf32, #tpu.memory_space<hbm>>) target(%dma_start3A_29 : memref<128x32xf32, #tpu.memory_space<vmem>>) offsets(%dma_start3A_32 : memref<128xi32, #tpu.memory_space<vmem>>) semaphore(%arg14 : memref<!tpu.dma_semaphore, #tpu.memory_space<semaphore_mem>>)
      %add3A_36 = arith.constant 1 : i32
      %add3A_37 = arith.addi %mul3A_24, %add3A_36 : i32
      %dma_start3A_38 = arith.constant 0 : i32
      %dma_start3A_39 = arith.constant 128 : i32
      %dma_start3A_40 = arith.constant 0 : i32
      %dma_start3A_41 = tpu.memref_slice %arg9[%dma_start3A_39, %dma_start3A_40] : memref<256x32xf32, #tpu.memory_space<vmem>> -> memref<128x32xf32, #tpu.memory_space<vmem>>
      %dma_start3A_42 = arith.constant 0 : i32
      %dma_start3A_43 = tpu.memref_slice %arg8[%dma_start3A_38, %add3A_37, %dma_start3A_42] : memref<5x50x128xi32, #tpu.memory_space<vmem>> -> memref<1x1x128xi32, #tpu.memory_space<vmem>>
      %dma_start3A_44 = tpu.memref_squeeze %dma_start3A_43 : memref<1x1x128xi32, #tpu.memory_space<vmem>> -> memref<128xi32, #tpu.memory_space<vmem>>
      %dma_start3A_45 = arith.constant 0 : i32
      %dma_start3A_46 = arith.constant 0 : i32
      %dma_start3A_47 = tpu.memref_slice %arg3[%dma_start3A_45, %dma_start3A_46] : memref<1000000x32xf32, #tpu.memory_space<hbm>> -> memref<1000000x32xf32, #tpu.memory_space<hbm>>
      tpu.enqueue_indirect_dma source(%dma_start3A_47 : memref<1000000x32xf32, #tpu.memory_space<hbm>>) target(%dma_start3A_41 : memref<128x32xf32, #tpu.memory_space<vmem>>) offsets(%dma_start3A_44 : memref<128xi32, #tpu.memory_space<vmem>>) semaphore(%arg14 : memref<!tpu.dma_semaphore, #tpu.memory_space<semaphore_mem>>)
      %add3A_48 = arith.constant 0 : i32
      %add3A_49 = arith.addi %mul3A_24, %add3A_48 : i32
      %dma_start3A_50 = arith.constant 3 : i32
      %dma_start3A_51 = arith.constant 0 : i32
      %dma_start3A_52 = arith.constant 0 : i32
      %dma_start3A_53 = tpu.memref_slice %arg10[%dma_start3A_51, %dma_start3A_52] : memref<256x32xf32, #tpu.memory_space<vmem>> -> memref<128x32xf32, #tpu.memory_space<vmem>>
      %dma_start3A_54 = arith.constant 0 : i32
      %dma_start3A_55 = tpu.memref_slice %arg8[%dma_start3A_50, %add3A_49, %dma_start3A_54] : memref<5x50x128xi32, #tpu.memory_space<vmem>> -> memref<1x1x128xi32, #tpu.memory_space<vmem>>
      %dma_start3A_56 = tpu.memref_squeeze %dma_start3A_55 : memref<1x1x128xi32, #tpu.memory_space<vmem>> -> memref<128xi32, #tpu.memory_space<vmem>>
      %dma_start3A_57 = arith.constant 0 : i32
      %dma_start3A_58 = arith.constant 0 : i32
      %dma_start3A_59 = tpu.memref_slice %arg3[%dma_start3A_57, %dma_start3A_58] : memref<1000000x32xf32, #tpu.memory_space<hbm>> -> memref<1000000x32xf32, #tpu.memory_space<hbm>>
      tpu.enqueue_indirect_dma source(%dma_start3A_59 : memref<1000000x32xf32, #tpu.memory_space<hbm>>) target(%dma_start3A_53 : memref<128x32xf32, #tpu.memory_space<vmem>>) offsets(%dma_start3A_56 : memref<128xi32, #tpu.memory_space<vmem>>) semaphore(%arg14 : memref<!tpu.dma_semaphore, #tpu.memory_space<semaphore_mem>>)
      %add3A_60 = arith.constant 1 : i32
      %add3A_61 = arith.addi %mul3A_24, %add3A_60 : i32
      %dma_start3A_62 = arith.constant 3 : i32
      %dma_start3A_63 = arith.constant 128 : i32
      %dma_start3A_64 = arith.constant 0 : i32
      %dma_start3A_65 = tpu.memref_slice %arg10[%dma_start3A_63, %dma_start3A_64] : memref<256x32xf32, #tpu.memory_space<vmem>> -> memref<128x32xf32, #tpu.memory_space<vmem>>
      %dma_start3A_66 = arith.constant 0 : i32
      %dma_start3A_67 = tpu.memref_slice %arg8[%dma_start3A_62, %add3A_61, %dma_start3A_66] : memref<5x50x128xi32, #tpu.memory_space<vmem>> -> memref<1x1x128xi32, #tpu.memory_space<vmem>>
      %dma_start3A_68 = tpu.memref_squeeze %dma_start3A_67 : memref<1x1x128xi32, #tpu.memory_space<vmem>> -> memref<128xi32, #tpu.memory_space<vmem>>
      %dma_start3A_69 = arith.constant 0 : i32
      %dma_start3A_70 = arith.constant 0 : i32
      %dma_start3A_71 = tpu.memref_slice %arg3[%dma_start3A_69, %dma_start3A_70] : memref<1000000x32xf32, #tpu.memory_space<hbm>> -> memref<1000000x32xf32, #tpu.memory_space<hbm>>
      tpu.enqueue_indirect_dma source(%dma_start3A_71 : memref<1000000x32xf32, #tpu.memory_space<hbm>>) target(%dma_start3A_65 : memref<128x32xf32, #tpu.memory_space<vmem>>) offsets(%dma_start3A_68 : memref<128xi32, #tpu.memory_space<vmem>>) semaphore(%arg14 : memref<!tpu.dma_semaphore, #tpu.memory_space<semaphore_mem>>)
      %add3A_72 = arith.constant 0 : i32
      %add3A_73 = arith.addi %mul3A_24, %add3A_72 : i32
      %dma_start3A_74 = arith.constant 1 : i32
      %dma_start3A_75 = arith.constant 0 : i32
      %dma_start3A_76 = arith.constant 0 : i32
      %dma_start3A_77 = tpu.memref_slice %arg11[%dma_start3A_75, %dma_start3A_76] : memref<256x32xf32, #tpu.memory_space<vmem>> -> memref<128x32xf32, #tpu.memory_space<vmem>>
      %dma_start3A_78 = arith.constant 0 : i32
      %dma_start3A_79 = tpu.memref_slice %arg8[%dma_start3A_74, %add3A_73, %dma_start3A_78] : memref<5x50x128xi32, #tpu.memory_space<vmem>> -> memref<1x1x128xi32, #tpu.memory_space<vmem>>
      %dma_start3A_80 = tpu.memref_squeeze %dma_start3A_79 : memref<1x1x128xi32, #tpu.memory_space<vmem>> -> memref<128xi32, #tpu.memory_space<vmem>>
      %dma_start3A_81 = arith.constant 0 : i32
      %dma_start3A_82 = arith.constant 0 : i32
      %dma_start3A_83 = tpu.memref_slice %arg4[%dma_start3A_81, %dma_start3A_82] : memref<1000000x32xf32, #tpu.memory_space<hbm>> -> memref<1000000x32xf32, #tpu.memory_space<hbm>>
      tpu.enqueue_indirect_dma source(%dma_start3A_83 : memref<1000000x32xf32, #tpu.memory_space<hbm>>) target(%dma_start3A_77 : memref<128x32xf32, #tpu.memory_space<vmem>>) offsets(%dma_start3A_80 : memref<128xi32, #tpu.memory_space<vmem>>) semaphore(%arg14 : memref<!tpu.dma_semaphore, #tpu.memory_space<semaphore_mem>>)
      %add3A_84 = arith.constant 1 : i32
      %add3A_85 = arith.addi %mul3A_24, %add3A_84 : i32
      %dma_start3A_86 = arith.constant 1 : i32
      %dma_start3A_87 = arith.constant 128 : i32
      %dma_start3A_88 = arith.constant 0 : i32
      %dma_start3A_89 = tpu.memref_slice %arg11[%dma_start3A_87, %dma_start3A_88] : memref<256x32xf32, #tpu.memory_space<vmem>> -> memref<128x32xf32, #tpu.memory_space<vmem>>
      %dma_start3A_90 = arith.constant 0 : i32
      %dma_start3A_91 = tpu.memref_slice %arg8[%dma_start3A_86, %add3A_85, %dma_start3A_90] : memref<5x50x128xi32, #tpu.memory_space<vmem>> -> memref<1x1x128xi32, #tpu.memory_space<vmem>>
      %dma_start3A_92 = tpu.memref_squeeze %dma_start3A_91 : memref<1x1x128xi32, #tpu.memory_space<vmem>> -> memref<128xi32, #tpu.memory_space<vmem>>
      %dma_start3A_93 = arith.constant 0 : i32
      %dma_start3A_94 = arith.constant 0 : i32
      %dma_start3A_95 = tpu.memref_slice %arg4[%dma_start3A_93, %dma_start3A_94] : memref<1000000x32xf32, #tpu.memory_space<hbm>> -> memref<1000000x32xf32, #tpu.memory_space<hbm>>
      tpu.enqueue_indirect_dma source(%dma_start3A_95 : memref<1000000x32xf32, #tpu.memory_space<hbm>>) target(%dma_start3A_89 : memref<128x32xf32, #tpu.memory_space<vmem>>) offsets(%dma_start3A_92 : memref<128xi32, #tpu.memory_space<vmem>>) semaphore(%arg14 : memref<!tpu.dma_semaphore, #tpu.memory_space<semaphore_mem>>)
      %add3A_96 = arith.constant 0 : i32
      %add3A_97 = arith.addi %mul3A_24, %add3A_96 : i32
      %dma_start3A_98 = arith.constant 2 : i32
      %dma_start3A_99 = arith.constant 0 : i32
      %dma_start3A_100 = arith.constant 0 : i32
      %dma_start3A_101 = tpu.memref_slice %arg12[%dma_start3A_99, %dma_start3A_100] : memref<256x32xf32, #tpu.memory_space<vmem>> -> memref<128x32xf32, #tpu.memory_space<vmem>>
      %dma_start3A_102 = arith.constant 0 : i32
      %dma_start3A_103 = tpu.memref_slice %arg8[%dma_start3A_98, %add3A_97, %dma_start3A_102] : memref<5x50x128xi32, #tpu.memory_space<vmem>> -> memref<1x1x128xi32, #tpu.memory_space<vmem>>
      %dma_start3A_104 = tpu.memref_squeeze %dma_start3A_103 : memref<1x1x128xi32, #tpu.memory_space<vmem>> -> memref<128xi32, #tpu.memory_space<vmem>>
      %dma_start3A_105 = arith.constant 0 : i32
      %dma_start3A_106 = arith.constant 0 : i32
      %dma_start3A_107 = tpu.memref_slice %arg4[%dma_start3A_105, %dma_start3A_106] : memref<1000000x32xf32, #tpu.memory_space<hbm>> -> memref<1000000x32xf32, #tpu.memory_space<hbm>>
      tpu.enqueue_indirect_dma source(%dma_start3A_107 : memref<1000000x32xf32, #tpu.memory_space<hbm>>) target(%dma_start3A_101 : memref<128x32xf32, #tpu.memory_space<vmem>>) offsets(%dma_start3A_104 : memref<128xi32, #tpu.memory_space<vmem>>) semaphore(%arg14 : memref<!tpu.dma_semaphore, #tpu.memory_space<semaphore_mem>>)
      %add3A_108 = arith.constant 1 : i32
      %add3A_109 = arith.addi %mul3A_24, %add3A_108 : i32
      %dma_start3A_110 = arith.constant 2 : i32
      %dma_start3A_111 = arith.constant 128 : i32
      %dma_start3A_112 = arith.constant 0 : i32
      %dma_start3A_113 = tpu.memref_slice %arg12[%dma_start3A_111, %dma_start3A_112] : memref<256x32xf32, #tpu.memory_space<vmem>> -> memref<128x32xf32, #tpu.memory_space<vmem>>
      %dma_start3A_114 = arith.constant 0 : i32
      %dma_start3A_115 = tpu.memref_slice %arg8[%dma_start3A_110, %add3A_109, %dma_start3A_114] : memref<5x50x128xi32, #tpu.memory_space<vmem>> -> memref<1x1x128xi32, #tpu.memory_space<vmem>>
      %dma_start3A_116 = tpu.memref_squeeze %dma_start3A_115 : memref<1x1x128xi32, #tpu.memory_space<vmem>> -> memref<128xi32, #tpu.memory_space<vmem>>
      %dma_start3A_117 = arith.constant 0 : i32
      %dma_start3A_118 = arith.constant 0 : i32
      %dma_start3A_119 = tpu.memref_slice %arg4[%dma_start3A_117, %dma_start3A_118] : memref<1000000x32xf32, #tpu.memory_space<hbm>> -> memref<1000000x32xf32, #tpu.memory_space<hbm>>
      tpu.enqueue_indirect_dma source(%dma_start3A_119 : memref<1000000x32xf32, #tpu.memory_space<hbm>>) target(%dma_start3A_113 : memref<128x32xf32, #tpu.memory_space<vmem>>) offsets(%dma_start3A_116 : memref<128xi32, #tpu.memory_space<vmem>>) semaphore(%arg14 : memref<!tpu.dma_semaphore, #tpu.memory_space<semaphore_mem>>)
      %add3A_120 = arith.constant 0 : i32
      %add3A_121 = arith.addi %mul3A_24, %add3A_120 : i32
      %dma_start3A_122 = arith.constant 4 : i32
      %dma_start3A_123 = arith.constant 0 : i32
      %dma_start3A_124 = arith.constant 0 : i32
      %dma_start3A_125 = tpu.memref_slice %arg13[%dma_start3A_123, %dma_start3A_124] : memref<256x16xf32, #tpu.memory_space<vmem>> -> memref<128x16xf32, #tpu.memory_space<vmem>>
      %dma_start3A_126 = arith.constant 0 : i32
      %dma_start3A_127 = tpu.memref_slice %arg8[%dma_start3A_122, %add3A_121, %dma_start3A_126] : memref<5x50x128xi32, #tpu.memory_space<vmem>> -> memref<1x1x128xi32, #tpu.memory_space<vmem>>
      %dma_start3A_128 = tpu.memref_squeeze %dma_start3A_127 : memref<1x1x128xi32, #tpu.memory_space<vmem>> -> memref<128xi32, #tpu.memory_space<vmem>>
      %dma_start3A_129 = arith.constant 0 : i32
      %dma_start3A_130 = arith.constant 0 : i32
      %dma_start3A_131 = tpu.memref_slice %arg5[%dma_start3A_129, %dma_start3A_130] : memref<1000000x16xf32, #tpu.memory_space<hbm>> -> memref<1000000x16xf32, #tpu.memory_space<hbm>>
      tpu.enqueue_indirect_dma source(%dma_start3A_131 : memref<1000000x16xf32, #tpu.memory_space<hbm>>) target(%dma_start3A_125 : memref<128x16xf32, #tpu.memory_space<vmem>>) offsets(%dma_start3A_128 : memref<128xi32, #tpu.memory_space<vmem>>) semaphore(%arg14 : memref<!tpu.dma_semaphore, #tpu.memory_space<semaphore_mem>>)
      %add3A_132 = arith.constant 1 : i32
      %add3A_133 = arith.addi %mul3A_24, %add3A_132 : i32
      %dma_start3A_134 = arith.constant 4 : i32
      %dma_start3A_135 = arith.constant 128 : i32
      %dma_start3A_136 = arith.constant 0 : i32
      %dma_start3A_137 = tpu.memref_slice %arg13[%dma_start3A_135, %dma_start3A_136] : memref<256x16xf32, #tpu.memory_space<vmem>> -> memref<128x16xf32, #tpu.memory_space<vmem>>
      %dma_start3A_138 = arith.constant 0 : i32
      %dma_start3A_139 = tpu.memref_slice %arg8[%dma_start3A_134, %add3A_133, %dma_start3A_138] : memref<5x50x128xi32, #tpu.memory_space<vmem>> -> memref<1x1x128xi32, #tpu.memory_space<vmem>>
      %dma_start3A_140 = tpu.memref_squeeze %dma_start3A_139 : memref<1x1x128xi32, #tpu.memory_space<vmem>> -> memref<128xi32, #tpu.memory_space<vmem>>
      %dma_start3A_141 = arith.constant 0 : i32
      %dma_start3A_142 = arith.constant 0 : i32
      %dma_start3A_143 = tpu.memref_slice %arg5[%dma_start3A_141, %dma_start3A_142] : memref<1000000x16xf32, #tpu.memory_space<hbm>> -> memref<1000000x16xf32, #tpu.memory_space<hbm>>
      tpu.enqueue_indirect_dma source(%dma_start3A_143 : memref<1000000x16xf32, #tpu.memory_space<hbm>>) target(%dma_start3A_137 : memref<128x16xf32, #tpu.memory_space<vmem>>) offsets(%dma_start3A_140 : memref<128xi32, #tpu.memory_space<vmem>>) semaphore(%arg14 : memref<!tpu.dma_semaphore, #tpu.memory_space<semaphore_mem>>)
      %dma_wait3A = arith.constant 0 : i32
      %dma_wait3A_144 = arith.constant 0 : i32
      %dma_wait3A_145 = arith.constant 0 : i32
      %dma_wait3A_146 = tpu.memref_slice %arg9[%dma_wait3A_144, %dma_wait3A_145] : memref<256x32xf32, #tpu.memory_space<vmem>> -> memref<128x32xf32, #tpu.memory_space<vmem>>
      %dma_wait3A_147 = arith.constant 0 : i32
      %dma_wait3A_148 = tpu.memref_slice %arg8[%dma_wait3A, %add3A_26, %dma_wait3A_147] : memref<5x50x128xi32, #tpu.memory_space<vmem>> -> memref<1x1x128xi32, #tpu.memory_space<vmem>>
      %dma_wait3A_149 = tpu.memref_squeeze %dma_wait3A_148 : memref<1x1x128xi32, #tpu.memory_space<vmem>> -> memref<128xi32, #tpu.memory_space<vmem>>
      %dma_wait3A_150 = arith.constant 0 : i32
      %dma_wait3A_151 = arith.constant 0 : i32
      %dma_wait3A_152 = tpu.memref_slice %arg3[%dma_wait3A_150, %dma_wait3A_151] : memref<1000000x32xf32, #tpu.memory_space<hbm>> -> memref<1000000x32xf32, #tpu.memory_space<hbm>>
      tpu.wait_indirect_dma semaphore(%arg14 : memref<!tpu.dma_semaphore, #tpu.memory_space<semaphore_mem>>) src(%dma_wait3A_152 : memref<1000000x32xf32, #tpu.memory_space<hbm>>) dst(%dma_wait3A_146 : memref<128x32xf32, #tpu.memory_space<vmem>>)
      %dma_wait3A_153 = arith.constant 0 : i32
      %dma_wait3A_154 = arith.constant 128 : i32
      %dma_wait3A_155 = arith.constant 0 : i32
      %dma_wait3A_156 = tpu.memref_slice %arg9[%dma_wait3A_154, %dma_wait3A_155] : memref<256x32xf32, #tpu.memory_space<vmem>> -> memref<128x32xf32, #tpu.memory_space<vmem>>
      %dma_wait3A_157 = arith.constant 0 : i32
      %dma_wait3A_158 = tpu.memref_slice %arg8[%dma_wait3A_153, %add3A_37, %dma_wait3A_157] : memref<5x50x128xi32, #tpu.memory_space<vmem>> -> memref<1x1x128xi32, #tpu.memory_space<vmem>>
      %dma_wait3A_159 = tpu.memref_squeeze %dma_wait3A_158 : memref<1x1x128xi32, #tpu.memory_space<vmem>> -> memref<128xi32, #tpu.memory_space<vmem>>
      %dma_wait3A_160 = arith.constant 0 : i32
      %dma_wait3A_161 = arith.constant 0 : i32
      %dma_wait3A_162 = tpu.memref_slice %arg3[%dma_wait3A_160, %dma_wait3A_161] : memref<1000000x32xf32, #tpu.memory_space<hbm>> -> memref<1000000x32xf32, #tpu.memory_space<hbm>>
      tpu.wait_indirect_dma semaphore(%arg14 : memref<!tpu.dma_semaphore, #tpu.memory_space<semaphore_mem>>) src(%dma_wait3A_162 : memref<1000000x32xf32, #tpu.memory_space<hbm>>) dst(%dma_wait3A_156 : memref<128x32xf32, #tpu.memory_space<vmem>>)
      %dma_wait3A_163 = arith.constant 3 : i32
      %dma_wait3A_164 = arith.constant 0 : i32
      %dma_wait3A_165 = arith.constant 0 : i32
      %dma_wait3A_166 = tpu.memref_slice %arg10[%dma_wait3A_164, %dma_wait3A_165] : memref<256x32xf32, #tpu.memory_space<vmem>> -> memref<128x32xf32, #tpu.memory_space<vmem>>
      %dma_wait3A_167 = arith.constant 0 : i32
      %dma_wait3A_168 = tpu.memref_slice %arg8[%dma_wait3A_163, %add3A_49, %dma_wait3A_167] : memref<5x50x128xi32, #tpu.memory_space<vmem>> -> memref<1x1x128xi32, #tpu.memory_space<vmem>>
      %dma_wait3A_169 = tpu.memref_squeeze %dma_wait3A_168 : memref<1x1x128xi32, #tpu.memory_space<vmem>> -> memref<128xi32, #tpu.memory_space<vmem>>
      %dma_wait3A_170 = arith.constant 0 : i32
      %dma_wait3A_171 = arith.constant 0 : i32
      %dma_wait3A_172 = tpu.memref_slice %arg3[%dma_wait3A_170, %dma_wait3A_171] : memref<1000000x32xf32, #tpu.memory_space<hbm>> -> memref<1000000x32xf32, #tpu.memory_space<hbm>>
      tpu.wait_indirect_dma semaphore(%arg14 : memref<!tpu.dma_semaphore, #tpu.memory_space<semaphore_mem>>) src(%dma_wait3A_172 : memref<1000000x32xf32, #tpu.memory_space<hbm>>) dst(%dma_wait3A_166 : memref<128x32xf32, #tpu.memory_space<vmem>>)
      %dma_wait3A_173 = arith.constant 3 : i32
      %dma_wait3A_174 = arith.constant 128 : i32
      %dma_wait3A_175 = arith.constant 0 : i32
      %dma_wait3A_176 = tpu.memref_slice %arg10[%dma_wait3A_174, %dma_wait3A_175] : memref<256x32xf32, #tpu.memory_space<vmem>> -> memref<128x32xf32, #tpu.memory_space<vmem>>
      %dma_wait3A_177 = arith.constant 0 : i32
      %dma_wait3A_178 = tpu.memref_slice %arg8[%dma_wait3A_173, %add3A_61, %dma_wait3A_177] : memref<5x50x128xi32, #tpu.memory_space<vmem>> -> memref<1x1x128xi32, #tpu.memory_space<vmem>>
      %dma_wait3A_179 = tpu.memref_squeeze %dma_wait3A_178 : memref<1x1x128xi32, #tpu.memory_space<vmem>> -> memref<128xi32, #tpu.memory_space<vmem>>
      %dma_wait3A_180 = arith.constant 0 : i32
      %dma_wait3A_181 = arith.constant 0 : i32
      %dma_wait3A_182 = tpu.memref_slice %arg3[%dma_wait3A_180, %dma_wait3A_181] : memref<1000000x32xf32, #tpu.memory_space<hbm>> -> memref<1000000x32xf32, #tpu.memory_space<hbm>>
      tpu.wait_indirect_dma semaphore(%arg14 : memref<!tpu.dma_semaphore, #tpu.memory_space<semaphore_mem>>) src(%dma_wait3A_182 : memref<1000000x32xf32, #tpu.memory_space<hbm>>) dst(%dma_wait3A_176 : memref<128x32xf32, #tpu.memory_space<vmem>>)
      %dma_wait3A_183 = arith.constant 1 : i32
      %dma_wait3A_184 = arith.constant 0 : i32
      %dma_wait3A_185 = arith.constant 0 : i32
      %dma_wait3A_186 = tpu.memref_slice %arg11[%dma_wait3A_184, %dma_wait3A_185] : memref<256x32xf32, #tpu.memory_space<vmem>> -> memref<128x32xf32, #tpu.memory_space<vmem>>
      %dma_wait3A_187 = arith.constant 0 : i32
      %dma_wait3A_188 = tpu.memref_slice %arg8[%dma_wait3A_183, %add3A_73, %dma_wait3A_187] : memref<5x50x128xi32, #tpu.memory_space<vmem>> -> memref<1x1x128xi32, #tpu.memory_space<vmem>>
      %dma_wait3A_189 = tpu.memref_squeeze %dma_wait3A_188 : memref<1x1x128xi32, #tpu.memory_space<vmem>> -> memref<128xi32, #tpu.memory_space<vmem>>
      %dma_wait3A_190 = arith.constant 0 : i32
      %dma_wait3A_191 = arith.constant 0 : i32
      %dma_wait3A_192 = tpu.memref_slice %arg4[%dma_wait3A_190, %dma_wait3A_191] : memref<1000000x32xf32, #tpu.memory_space<hbm>> -> memref<1000000x32xf32, #tpu.memory_space<hbm>>
      tpu.wait_indirect_dma semaphore(%arg14 : memref<!tpu.dma_semaphore, #tpu.memory_space<semaphore_mem>>) src(%dma_wait3A_192 : memref<1000000x32xf32, #tpu.memory_space<hbm>>) dst(%dma_wait3A_186 : memref<128x32xf32, #tpu.memory_space<vmem>>)
      %dma_wait3A_193 = arith.constant 1 : i32
      %dma_wait3A_194 = arith.constant 128 : i32
      %dma_wait3A_195 = arith.constant 0 : i32
      %dma_wait3A_196 = tpu.memref_slice %arg11[%dma_wait3A_194, %dma_wait3A_195] : memref<256x32xf32, #tpu.memory_space<vmem>> -> memref<128x32xf32, #tpu.memory_space<vmem>>
      %dma_wait3A_197 = arith.constant 0 : i32
      %dma_wait3A_198 = tpu.memref_slice %arg8[%dma_wait3A_193, %add3A_85, %dma_wait3A_197] : memref<5x50x128xi32, #tpu.memory_space<vmem>> -> memref<1x1x128xi32, #tpu.memory_space<vmem>>
      %dma_wait3A_199 = tpu.memref_squeeze %dma_wait3A_198 : memref<1x1x128xi32, #tpu.memory_space<vmem>> -> memref<128xi32, #tpu.memory_space<vmem>>
      %dma_wait3A_200 = arith.constant 0 : i32
      %dma_wait3A_201 = arith.constant 0 : i32
      %dma_wait3A_202 = tpu.memref_slice %arg4[%dma_wait3A_200, %dma_wait3A_201] : memref<1000000x32xf32, #tpu.memory_space<hbm>> -> memref<1000000x32xf32, #tpu.memory_space<hbm>>
      tpu.wait_indirect_dma semaphore(%arg14 : memref<!tpu.dma_semaphore, #tpu.memory_space<semaphore_mem>>) src(%dma_wait3A_202 : memref<1000000x32xf32, #tpu.memory_space<hbm>>) dst(%dma_wait3A_196 : memref<128x32xf32, #tpu.memory_space<vmem>>)
      %dma_wait3A_203 = arith.constant 2 : i32
      %dma_wait3A_204 = arith.constant 0 : i32
      %dma_wait3A_205 = arith.constant 0 : i32
      %dma_wait3A_206 = tpu.memref_slice %arg12[%dma_wait3A_204, %dma_wait3A_205] : memref<256x32xf32, #tpu.memory_space<vmem>> -> memref<128x32xf32, #tpu.memory_space<vmem>>
      %dma_wait3A_207 = arith.constant 0 : i32
      %dma_wait3A_208 = tpu.memref_slice %arg8[%dma_wait3A_203, %add3A_97, %dma_wait3A_207] : memref<5x50x128xi32, #tpu.memory_space<vmem>> -> memref<1x1x128xi32, #tpu.memory_space<vmem>>
      %dma_wait3A_209 = tpu.memref_squeeze %dma_wait3A_208 : memref<1x1x128xi32, #tpu.memory_space<vmem>> -> memref<128xi32, #tpu.memory_space<vmem>>
      %dma_wait3A_210 = arith.constant 0 : i32
      %dma_wait3A_211 = arith.constant 0 : i32
      %dma_wait3A_212 = tpu.memref_slice %arg4[%dma_wait3A_210, %dma_wait3A_211] : memref<1000000x32xf32, #tpu.memory_space<hbm>> -> memref<1000000x32xf32, #tpu.memory_space<hbm>>
      tpu.wait_indirect_dma semaphore(%arg14 : memref<!tpu.dma_semaphore, #tpu.memory_space<semaphore_mem>>) src(%dma_wait3A_212 : memref<1000000x32xf32, #tpu.memory_space<hbm>>) dst(%dma_wait3A_206 : memref<128x32xf32, #tpu.memory_space<vmem>>)
      %dma_wait3A_213 = arith.constant 2 : i32
      %dma_wait3A_214 = arith.constant 128 : i32
      %dma_wait3A_215 = arith.constant 0 : i32
      %dma_wait3A_216 = tpu.memref_slice %arg12[%dma_wait3A_214, %dma_wait3A_215] : memref<256x32xf32, #tpu.memory_space<vmem>> -> memref<128x32xf32, #tpu.memory_space<vmem>>
      %dma_wait3A_217 = arith.constant 0 : i32
      %dma_wait3A_218 = tpu.memref_slice %arg8[%dma_wait3A_213, %add3A_109, %dma_wait3A_217] : memref<5x50x128xi32, #tpu.memory_space<vmem>> -> memref<1x1x128xi32, #tpu.memory_space<vmem>>
      %dma_wait3A_219 = tpu.memref_squeeze %dma_wait3A_218 : memref<1x1x128xi32, #tpu.memory_space<vmem>> -> memref<128xi32, #tpu.memory_space<vmem>>
      %dma_wait3A_220 = arith.constant 0 : i32
      %dma_wait3A_221 = arith.constant 0 : i32
      %dma_wait3A_222 = tpu.memref_slice %arg4[%dma_wait3A_220, %dma_wait3A_221] : memref<1000000x32xf32, #tpu.memory_space<hbm>> -> memref<1000000x32xf32, #tpu.memory_space<hbm>>
      tpu.wait_indirect_dma semaphore(%arg14 : memref<!tpu.dma_semaphore, #tpu.memory_space<semaphore_mem>>) src(%dma_wait3A_222 : memref<1000000x32xf32, #tpu.memory_space<hbm>>) dst(%dma_wait3A_216 : memref<128x32xf32, #tpu.memory_space<vmem>>)
      %dma_wait3A_223 = arith.constant 4 : i32
      %dma_wait3A_224 = arith.constant 0 : i32
      %dma_wait3A_225 = arith.constant 0 : i32
      %dma_wait3A_226 = tpu.memref_slice %arg13[%dma_wait3A_224, %dma_wait3A_225] : memref<256x16xf32, #tpu.memory_space<vmem>> -> memref<128x16xf32, #tpu.memory_space<vmem>>
      %dma_wait3A_227 = arith.constant 0 : i32
      %dma_wait3A_228 = tpu.memref_slice %arg8[%dma_wait3A_223, %add3A_121, %dma_wait3A_227] : memref<5x50x128xi32, #tpu.memory_space<vmem>> -> memref<1x1x128xi32, #tpu.memory_space<vmem>>
      %dma_wait3A_229 = tpu.memref_squeeze %dma_wait3A_228 : memref<1x1x128xi32, #tpu.memory_space<vmem>> -> memref<128xi32, #tpu.memory_space<vmem>>
      %dma_wait3A_230 = arith.constant 0 : i32
      %dma_wait3A_231 = arith.constant 0 : i32
      %dma_wait3A_232 = tpu.memref_slice %arg5[%dma_wait3A_230, %dma_wait3A_231] : memref<1000000x16xf32, #tpu.memory_space<hbm>> -> memref<1000000x16xf32, #tpu.memory_space<hbm>>
      tpu.wait_indirect_dma semaphore(%arg14 : memref<!tpu.dma_semaphore, #tpu.memory_space<semaphore_mem>>) src(%dma_wait3A_232 : memref<1000000x16xf32, #tpu.memory_space<hbm>>) dst(%dma_wait3A_226 : memref<128x16xf32, #tpu.memory_space<vmem>>)
      %dma_wait3A_233 = arith.constant 4 : i32
      %dma_wait3A_234 = arith.constant 128 : i32
      %dma_wait3A_235 = arith.constant 0 : i32
      %dma_wait3A_236 = tpu.memref_slice %arg13[%dma_wait3A_234, %dma_wait3A_235] : memref<256x16xf32, #tpu.memory_space<vmem>> -> memref<128x16xf32, #tpu.memory_space<vmem>>
      %dma_wait3A_237 = arith.constant 0 : i32
      %dma_wait3A_238 = tpu.memref_slice %arg8[%dma_wait3A_233, %add3A_133, %dma_wait3A_237] : memref<5x50x128xi32, #tpu.memory_space<vmem>> -> memref<1x1x128xi32, #tpu.memory_space<vmem>>
      %dma_wait3A_239 = tpu.memref_squeeze %dma_wait3A_238 : memref<1x1x128xi32, #tpu.memory_space<vmem>> -> memref<128xi32, #tpu.memory_space<vmem>>
      %dma_wait3A_240 = arith.constant 0 : i32
      %dma_wait3A_241 = arith.constant 0 : i32
      %dma_wait3A_242 = tpu.memref_slice %arg5[%dma_wait3A_240, %dma_wait3A_241] : memref<1000000x16xf32, #tpu.memory_space<hbm>> -> memref<1000000x16xf32, #tpu.memory_space<hbm>>
      tpu.wait_indirect_dma semaphore(%arg14 : memref<!tpu.dma_semaphore, #tpu.memory_space<semaphore_mem>>) src(%dma_wait3A_242 : memref<1000000x16xf32, #tpu.memory_space<hbm>>) dst(%dma_wait3A_236 : memref<128x16xf32, #tpu.memory_space<vmem>>)
      "tpu.region"() ({
        %run_scoped3A_243 = tpu.sem_alloc : memref<!tpu.dma_semaphore, #tpu.memory_space<semaphore_mem>>
        %dma_start3A_244 = arith.constant 0 : i32
        %dma_start3A_245 = tpu.memref_slice %arg6[%add3A_22, %dma_start3A_244] : memref<204800x128xf32, #tpu.memory_space<hbm>> -> memref<256x32xf32, #tpu.memory_space<hbm>>
        %dma_start3A_246 = arith.constant 0 : i32
        %dma_start3A_247 = tpu.memref_slice %arg6[%add3A_22, %dma_start3A_246] : memref<204800x128xf32, #tpu.memory_space<hbm>> -> memref<256x32xf32, #tpu.memory_space<hbm>>
        tpu.enqueue_dma source(%arg9 : memref<256x32xf32, #tpu.memory_space<vmem>>) target(%dma_start3A_247 : memref<256x32xf32, #tpu.memory_space<hbm>>) target_semaphore(%run_scoped3A_243 : memref<!tpu.dma_semaphore, #tpu.memory_space<semaphore_mem>>)
        %dma_wait3A_248 = arith.constant 0 : i32
        %dma_wait3A_249 = tpu.memref_slice %arg6[%add3A_22, %dma_wait3A_248] : memref<204800x128xf32, #tpu.memory_space<hbm>> -> memref<256x32xf32, #tpu.memory_space<hbm>>
        %dma_wait3A_250 = arith.constant 0 : i32
        %dma_wait3A_251 = tpu.memref_slice %arg6[%add3A_22, %dma_wait3A_250] : memref<204800x128xf32, #tpu.memory_space<hbm>> -> memref<256x32xf32, #tpu.memory_space<hbm>>
        tpu.wait_dma2 semaphore(%run_scoped3A_243 : memref<!tpu.dma_semaphore, #tpu.memory_space<semaphore_mem>>) src(%arg9 : memref<256x32xf32, #tpu.memory_space<vmem>>) dst(%dma_wait3A_251 : memref<256x32xf32, #tpu.memory_space<hbm>>)
        tpu.yield
      }) : () -> ()
      "tpu.region"() ({
        %run_scoped3A_243 = tpu.sem_alloc : memref<!tpu.dma_semaphore, #tpu.memory_space<semaphore_mem>>
        %dma_start3A_244 = arith.constant 32 : i32
        %dma_start3A_245 = tpu.memref_slice %arg6[%add3A_22, %dma_start3A_244] : memref<204800x128xf32, #tpu.memory_space<hbm>> -> memref<256x32xf32, #tpu.memory_space<hbm>>
        %dma_start3A_246 = arith.constant 32 : i32
        %dma_start3A_247 = tpu.memref_slice %arg6[%add3A_22, %dma_start3A_246] : memref<204800x128xf32, #tpu.memory_space<hbm>> -> memref<256x32xf32, #tpu.memory_space<hbm>>
        tpu.enqueue_dma source(%arg10 : memref<256x32xf32, #tpu.memory_space<vmem>>) target(%dma_start3A_247 : memref<256x32xf32, #tpu.memory_space<hbm>>) target_semaphore(%run_scoped3A_243 : memref<!tpu.dma_semaphore, #tpu.memory_space<semaphore_mem>>)
        %dma_wait3A_248 = arith.constant 32 : i32
        %dma_wait3A_249 = tpu.memref_slice %arg6[%add3A_22, %dma_wait3A_248] : memref<204800x128xf32, #tpu.memory_space<hbm>> -> memref<256x32xf32, #tpu.memory_space<hbm>>
        %dma_wait3A_250 = arith.constant 32 : i32
        %dma_wait3A_251 = tpu.memref_slice %arg6[%add3A_22, %dma_wait3A_250] : memref<204800x128xf32, #tpu.memory_space<hbm>> -> memref<256x32xf32, #tpu.memory_space<hbm>>
        tpu.wait_dma2 semaphore(%run_scoped3A_243 : memref<!tpu.dma_semaphore, #tpu.memory_space<semaphore_mem>>) src(%arg10 : memref<256x32xf32, #tpu.memory_space<vmem>>) dst(%dma_wait3A_251 : memref<256x32xf32, #tpu.memory_space<hbm>>)
        tpu.yield
      }) : () -> ()
      "tpu.region"() ({
        %run_scoped3A_243 = tpu.sem_alloc : memref<!tpu.dma_semaphore, #tpu.memory_space<semaphore_mem>>
        %dma_start3A_244 = arith.constant 64 : i32
        %dma_start3A_245 = tpu.memref_slice %arg6[%add3A_22, %dma_start3A_244] : memref<204800x128xf32, #tpu.memory_space<hbm>> -> memref<256x32xf32, #tpu.memory_space<hbm>>
        %dma_start3A_246 = arith.constant 64 : i32
        %dma_start3A_247 = tpu.memref_slice %arg6[%add3A_22, %dma_start3A_246] : memref<204800x128xf32, #tpu.memory_space<hbm>> -> memref<256x32xf32, #tpu.memory_space<hbm>>
        tpu.enqueue_dma source(%arg11 : memref<256x32xf32, #tpu.memory_space<vmem>>) target(%dma_start3A_247 : memref<256x32xf32, #tpu.memory_space<hbm>>) target_semaphore(%run_scoped3A_243 : memref<!tpu.dma_semaphore, #tpu.memory_space<semaphore_mem>>)
        %dma_wait3A_248 = arith.constant 64 : i32
        %dma_wait3A_249 = tpu.memref_slice %arg6[%add3A_22, %dma_wait3A_248] : memref<204800x128xf32, #tpu.memory_space<hbm>> -> memref<256x32xf32, #tpu.memory_space<hbm>>
        %dma_wait3A_250 = arith.constant 64 : i32
        %dma_wait3A_251 = tpu.memref_slice %arg6[%add3A_22, %dma_wait3A_250] : memref<204800x128xf32, #tpu.memory_space<hbm>> -> memref<256x32xf32, #tpu.memory_space<hbm>>
        tpu.wait_dma2 semaphore(%run_scoped3A_243 : memref<!tpu.dma_semaphore, #tpu.memory_space<semaphore_mem>>) src(%arg11 : memref<256x32xf32, #tpu.memory_space<vmem>>) dst(%dma_wait3A_251 : memref<256x32xf32, #tpu.memory_space<hbm>>)
        tpu.yield
      }) : () -> ()
      "tpu.region"() ({
        %run_scoped3A_243 = tpu.sem_alloc : memref<!tpu.dma_semaphore, #tpu.memory_space<semaphore_mem>>
        %dma_start3A_244 = arith.constant 96 : i32
        %dma_start3A_245 = tpu.memref_slice %arg6[%add3A_22, %dma_start3A_244] : memref<204800x128xf32, #tpu.memory_space<hbm>> -> memref<256x32xf32, #tpu.memory_space<hbm>>
        %dma_start3A_246 = arith.constant 96 : i32
        %dma_start3A_247 = tpu.memref_slice %arg6[%add3A_22, %dma_start3A_246] : memref<204800x128xf32, #tpu.memory_space<hbm>> -> memref<256x32xf32, #tpu.memory_space<hbm>>
        tpu.enqueue_dma source(%arg12 : memref<256x32xf32, #tpu.memory_space<vmem>>) target(%dma_start3A_247 : memref<256x32xf32, #tpu.memory_space<hbm>>) target_semaphore(%run_scoped3A_243 : memref<!tpu.dma_semaphore, #tpu.memory_space<semaphore_mem>>)
        %dma_wait3A_248 = arith.constant 96 : i32
        %dma_wait3A_249 = tpu.memref_slice %arg6[%add3A_22, %dma_wait3A_248] : memref<204800x128xf32, #tpu.memory_space<hbm>> -> memref<256x32xf32, #tpu.memory_space<hbm>>
        %dma_wait3A_250 = arith.constant 96 : i32
        %dma_wait3A_251 = tpu.memref_slice %arg6[%add3A_22, %dma_wait3A_250] : memref<204800x128xf32, #tpu.memory_space<hbm>> -> memref<256x32xf32, #tpu.memory_space<hbm>>
        tpu.wait_dma2 semaphore(%run_scoped3A_243 : memref<!tpu.dma_semaphore, #tpu.memory_space<semaphore_mem>>) src(%arg12 : memref<256x32xf32, #tpu.memory_space<vmem>>) dst(%dma_wait3A_251 : memref<256x32xf32, #tpu.memory_space<hbm>>)
        tpu.yield
      }) : () -> ()
      "tpu.region"() ({
        %run_scoped3A_243 = tpu.sem_alloc : memref<!tpu.dma_semaphore, #tpu.memory_space<semaphore_mem>>
        %dma_start3A_244 = arith.constant 0 : i32
        %dma_start3A_245 = tpu.memref_slice %arg7[%add3A_22, %dma_start3A_244] : memref<204800x16xf32, #tpu.memory_space<hbm>> -> memref<256x16xf32, #tpu.memory_space<hbm>>
        %dma_start3A_246 = arith.constant 0 : i32
        %dma_start3A_247 = tpu.memref_slice %arg7[%add3A_22, %dma_start3A_246] : memref<204800x16xf32, #tpu.memory_space<hbm>> -> memref<256x16xf32, #tpu.memory_space<hbm>>
        tpu.enqueue_dma source(%arg13 : memref<256x16xf32, #tpu.memory_space<vmem>>) target(%dma_start3A_247 : memref<256x16xf32, #tpu.memory_space<hbm>>) target_semaphore(%run_scoped3A_243 : memref<!tpu.dma_semaphore, #tpu.memory_space<semaphore_mem>>)
        %dma_wait3A_248 = arith.constant 0 : i32
        %dma_wait3A_249 = tpu.memref_slice %arg7[%add3A_22, %dma_wait3A_248] : memref<204800x16xf32, #tpu.memory_space<hbm>> -> memref<256x16xf32, #tpu.memory_space<hbm>>
        %dma_wait3A_250 = arith.constant 0 : i32
        %dma_wait3A_251 = tpu.memref_slice %arg7[%add3A_22, %dma_wait3A_250] : memref<204800x16xf32, #tpu.memory_space<hbm>> -> memref<256x16xf32, #tpu.memory_space<hbm>>
        tpu.wait_dma2 semaphore(%run_scoped3A_243 : memref<!tpu.dma_semaphore, #tpu.memory_space<semaphore_mem>>) src(%arg13 : memref<256x16xf32, #tpu.memory_space<vmem>>) dst(%dma_wait3A_251 : memref<256x16xf32, #tpu.memory_space<hbm>>)
        tpu.yield
      }) : () -> ()
    }
    %scan3A_18 = arith.constant 25 : i32
    return
  }
}

module attributes {stable_mosaic.version = 14 : i64} {
  func.func @_mm_body(%arg0: i32, %arg1: memref<2048x128xf32, #tpu.memory_space<vmem>>, %arg2: memref<2048x16xf32, #tpu.memory_space<vmem>>, %arg3: memref<144x128xf32, #tpu.memory_space<vmem>>, %arg4: memref<1x128xf32, #tpu.memory_space<vmem>>, %arg5: memref<2048x128xf32, #tpu.memory_space<vmem>>) attributes {dimension_semantics = [#tpu.dimension_semantics<arbitrary>], iteration_bounds = array<i64: 100>, scalar_prefetch = 0 : i64, scratch_operands = 0 : i64, tpu.core_type = #tpu.core_type<tc>, window_params = [{transform_indices = @transform_0, window_bounds = array<i64: 2048, 128>}, {transform_indices = @transform_1, window_bounds = array<i64: 2048, 16>}, {pipeline_mode = #tpu.pipeline_mode<synchronous>, transform_indices = @transform_2, window_bounds = array<i64: 144, 128>}, {pipeline_mode = #tpu.pipeline_mode<synchronous>, transform_indices = @transform_3, window_bounds = array<i64: 1, 128>}, {transform_indices = @transform_4, window_bounds = array<i64: 2048, 128>}]} {
    %get3A = arith.constant 0 : index
    %get3A_0 = arith.constant 0 : index
    %get3A_1 = vector.load %arg1[%get3A, %get3A_0] : memref<2048x128xf32, #tpu.memory_space<vmem>>, vector<2048x128xf32>
    %get3A_2 = arith.constant 0 : index
    %get3A_3 = arith.constant 0 : index
    %get3A_4 = vector.load %arg3[%get3A_2, %get3A_3] : memref<144x128xf32, #tpu.memory_space<vmem>>, vector<128x128xf32>
    %dot_general3A = arith.constant dense<0.000000e+00> : vector<2048x128xf32>
    %dot_general3A_5 = tpu.matmul %get3A_1, %get3A_4, %dot_general3A {dimension_numbers = #tpu.dot_dimension_numbers<[1], [0], [0], [1], [0, 0, 1, 1], [], []>, transpose_lhs_hint = false} : vector<2048x128xf32>, vector<128x128xf32>, vector<2048x128xf32> -> vector<2048x128xf32>
    %get3A_6 = arith.constant 0 : index
    %get3A_7 = arith.constant 0 : index
    %get3A_8 = vector.load %arg2[%get3A_6, %get3A_7] : memref<2048x16xf32, #tpu.memory_space<vmem>>, vector<2048x16xf32>
    %get3A_9 = arith.constant 128 : index
    %get3A_10 = arith.constant 0 : index
    %get3A_11 = vector.load %arg3[%get3A_9, %get3A_10] : memref<144x128xf32, #tpu.memory_space<vmem>>, vector<16x128xf32>
    %dot_general3A_12 = arith.constant dense<0.000000e+00> : vector<2048x128xf32>
    %dot_general3A_13 = tpu.matmul %get3A_8, %get3A_11, %dot_general3A_12 {dimension_numbers = #tpu.dot_dimension_numbers<[1], [0], [0], [1], [0, 0, 1, 1], [], []>, transpose_lhs_hint = false} : vector<2048x16xf32>, vector<16x128xf32>, vector<2048x128xf32> -> vector<2048x128xf32>
    %add3A = arith.addf %dot_general3A_5, %dot_general3A_13 : vector<2048x128xf32>
    %get3A_14 = arith.constant 0 : index
    %get3A_15 = arith.constant 0 : index
    %get3A_16 = vector.load %arg4[%get3A_14, %get3A_15] : memref<1x128xf32, #tpu.memory_space<vmem>>, vector<1x128xf32>
    %add3A_17 = vector.broadcast %get3A_16 : vector<1x128xf32> to vector<2048x128xf32>
    %add3A_18 = arith.addf %add3A, %add3A_17 : vector<2048x128xf32>
    %swap3A = arith.constant 0 : index
    %swap3A_19 = arith.constant 0 : index
    %swap3A_20 = vector.load %arg5[%swap3A, %swap3A_19] : memref<2048x128xf32, #tpu.memory_space<vmem>>, vector<2048x128xf32>
    tpu.vector_store %arg5[%swap3A, %swap3A_19], %add3A_18 {strides = array<i32>} : memref<2048x128xf32, #tpu.memory_space<vmem>>, vector<2048x128xf32>,
    return
  }
  func.func @transform_0(%arg0: i32) -> (i32, i32) {
    %c0_i32 = arith.constant 0 : i32
    %c0_i32_0 = arith.constant 0 : i32
    return %arg0, %c0_i32 : i32, i32
  }
  func.func @transform_1(%arg0: i32) -> (i32, i32) {
    %c0_i32 = arith.constant 0 : i32
    %c0_i32_0 = arith.constant 0 : i32
    return %arg0, %c0_i32 : i32, i32
  }
  func.func @transform_2(%arg0: i32) -> (i32, i32) {
    %c0_i32 = arith.constant 0 : i32
    %c0_i32_0 = arith.constant 0 : i32
    %c0_i32_1 = arith.constant 0 : i32
    return %c0_i32, %c0_i32_0 : i32, i32
  }
  func.func @transform_3(%arg0: i32) -> (i32, i32) {
    %c0_i32 = arith.constant 0 : i32
    %c0_i32_0 = arith.constant 0 : i32
    %c0_i32_1 = arith.constant 0 : i32
    return %c0_i32, %c0_i32_0 : i32, i32
  }
  func.func @transform_4(%arg0: i32) -> (i32, i32) {
    %c0_i32 = arith.constant 0 : i32
    %c0_i32_0 = arith.constant 0 : i32
    return %arg0, %c0_i32 : i32, i32
  }
}

</mosaic_0001>

<sc_bundles>
// kernel: kernel.4.cloned.1.call-start
scs
__scs_entry_jumppad:
0x0: {  	(pc) =	sbr.rel $0x88, $3  }
0x1: {  	(tag) =	ssettag $0x0;
	lr =	simm.s32 $0x1  }
0x2: {  	[smem:$0x3F9B] =	sst lr;
	_ =	strace $0xD0000000  }
0x3: {  	_ = 	snop  }
0x4: {  	_ = 	snop  }
0x5: {  	_ = 	snop  }
0x6: {  	_ = 	snop  }
0x7: {  	_ = 	snop  }
__scs_overlays_trampoline_lowered:
0x8: {  	[smem:$0x3FAA] =	sst s0  }
0x9: {  	[smem:$0x3FAB] =	sst s1  }
0xa: {  	[smem:$0x3FAC] =	sst s2  }
0xb: {  	[smem:$0x3FAD] =	sst s3  }
0xc: {  	[smem:$0x3FAE] =	sst s4  }
0xd: {  	[smem:$0x3FAF] =	sst s5  }
0xe: {  	[smem:$0x3FB0] =	sst s6  }
0xf: {  	[smem:$0x3FB1] =	sst s7  }
0x10: {  	[smem:$0x3FB2] =	sst s8  }
0x11: {  	[smem:$0x3FB3] =	sst s9;
	s0 =	simm.s32 @!p0 $0x0  }
0x12: {  	s1 =	sld [smem:$0x3F99];
	s0 =	simm.s32 @p0 $0x1  }
0x13: {  	[smem:$0x3FB4] =	sst s0;
	s0 =	simm.s32 @!p1 $0x0  }
0x14: {  	s2 =	sld [smem:$0x3F98];
	s0 =	simm.s32 @p1 $0x1  }
0x15: {  	[smem:$0x3FB5] =	sst s0;
	s0 =	simm.s32 @!p2 $0x0  }
0x16: {  	s3 =	sld [smem:$0x3FDB];
	s0 =	simm.s32 @p2 $0x1  }
0x17: {  	s4 =	simm.s32 $0x1BF5;
	[smem:$0x3FB7] =	sst s0  }
0x18: {  	s0 =	sld [smem:$0x3F9A];
	_ =	swait.ge [sflag:s4], $0x0  }
0x19: {  	s7 =	sld [smem:$0x3F9B]  }
0x1a: {  	s8 =	sadd.s32 $0xFFFFE003, lr  }
0x1b: {  	s9 =	sadd.s32 $0xFFFFFEF7, lr;
	s5 =	simm.s32 $0xFFFFFFFF;
	p2 =	slt.u32 s8, $0xFFFFF086  }
0x1c: {  	p1 =	slt.u32 s9, $0xF7A;
	s5 =	simm.s32 @!p2 $0x0  }
0x1d: {  	s5 =	simm.s32 @p1 $0x1;
	p0 =	seq.s32 s7, s2  }
0x1e: {  	s7 =	smul.u32 @!p0 $0xF7A, s2;
	p2 =	seq.s32 @!p0 s5, $0x0  }
0x1f: {  	s9 =	smul.u32 $0xF7A, s1;
	s8 =	simm.s32 @!p0 $0x1BF5;
	p2 =	por !p2, p0  }
0x20: {  	[sflag:s8] =	ssyncset.s32 @!p0 $0xFFFFF086;
	s6 =	sadd.s32 @!p0 s3, s7;
	s7 =	simm.s32 @!p0 $0x108  }
0x21: {  	s3 =	sadd.s32 s3, s9;
	s6 =	sadd.s32 @!p0 $0x88, s6;
	s7 =	simm.s32 @p2 $0x1082  }
0x22: {  	[simem:s7], [sflag:s8] =	dma.local @!p0 [hbm:s6], $0xF7A  }
0x23: {  	s9 =	sor.u32 $0xD0000000, s2;
	s6 =	simm.s32 $0x108;
	_ =	swait.ge @!p0 [sflag:s8], $0x0  }
0x24: {  	s3 =	sadd.s32 $0x88, s3;
	s6 =	simm.s32 @!p1 $0x1082;
	[sflag:s4] =	ssyncset.s32 $0xFFFFF086  }
0x25: {  	[simem:s6], [sflag:s4] =	dma.local [hbm:s3], $0xF7A  }
0x26: {  	[smem:$0x3F9B] =	sst s1;
	(tag) =	ssettag s2;
	_ =	strace s9  }
0x27: {  	s1 =	sld [smem:$0x3FAB]  }
0x28: {  	s2 =	sld [smem:$0x3FAC]  }
0x29: {  	s4 =	sld [smem:$0x3FAE]  }
0x2a: {  	p0 =	seq.s32 s5, $0x0;
	s5 =	sld [smem:$0x3FAF]  }
0x2b: {  	s6 =	sld [smem:$0x3FB0]  }
0x2c: {  	s7 =	sld [smem:$0x3FB1]  }
0x2d: {  	s3 =	simm.s32 $0x108;
	s8 =	sld [smem:$0x3FB2]  }
0x2e: {  	s3 =	simm.s32 @!p0 $0x1082;
	s9 =	sld [smem:$0x3FB3]  }
0x2f: {  	lr =	sadd.s32 s0, s3;
	s0 =	sld [smem:$0x3FAA]  }
0x30: {  	s3 =	sld [smem:$0x3FAD]  }
0x31: {  	[smem:$0x3FB6] =	sst s10  }
0x32: {  	s10 =	sld [smem:$0x3FB4];
	_ =	sdelay $0x3  }
0x33: {  	p0 =	seq.s32 s10, $0x1;
	s10 =	sld [smem:$0x3FB6];
	_ =	sdelay $0x3  }
0x34: {  	[smem:$0x3FB6] =	sst s10  }
0x35: {  	s10 =	sld [smem:$0x3FB5];
	_ =	sdelay $0x3  }
0x36: {  	p1 =	seq.s32 s10, $0x1;
	s10 =	sld [smem:$0x3FB6];
	_ =	sdelay $0x3  }
0x37: {  	[smem:$0x3FB6] =	sst s10  }
0x38: {  	s10 =	sld [smem:$0x3FB7]  }
0x39: {  	_ = 	snop;
	(pc) =	sbr.ind lr, $3  }
0x3a: {  	_ = 	snop  }
0x3b: {  	_ = 	snop  }
0x3c: {  	p2 =	seq.s32 s10, $0x1;
	s10 =	sld [smem:$0x3FB6]  }
0x3d: {  	_ =	shalt  }
0x3e: {  	_ =	shalt  }
0x3f: {  	_ =	shalt  }
0x40: {  	_ =	shalt  }
0x41: {  	_ =	shalt  }
0x42: {  	_ =	shalt  }
0x43: {  	_ =	shalt  }
0x44: {  	_ =	shalt  }
0x45: {  	_ =	shalt  }
0x46: {  	_ =	shalt  }
0x47: {  	_ =	shalt  }
0x48: {  	_ =	shalt  }
0x49: {  	_ =	shalt  }
0x4a: {  	_ =	shalt  }
0x4b: {  	_ =	shalt  }
0x4c: {  	_ =	shalt  }
0x4d: {  	_ =	shalt  }
0x4e: {  	_ =	shalt  }
0x4f: {  	_ =	shalt  }
0x50: {  	_ =	shalt  }
0x51: {  	_ =	shalt  }
0x52: {  	_ =	shalt  }
0x53: {  	_ =	shalt  }
0x54: {  	_ =	shalt  }
0x55: {  	_ =	shalt  }
0x56: {  	_ =	shalt  }
0x57: {  	_ =	shalt  }
0x58: {  	_ =	shalt  }
0x59: {  	_ =	shalt  }
0x5a: {  	_ =	shalt  }
0x5b: {  	_ =	shalt  }
0x5c: {  	_ =	shalt  }
0x5d: {  	_ =	shalt  }
0x5e: {  	_ =	shalt  }
0x5f: {  	_ =	shalt  }
0x60: {  	_ =	shalt  }
0x61: {  	_ =	shalt  }
0x62: {  	_ =	shalt  }
0x63: {  	_ =	shalt  }
0x64: {  	_ =	shalt  }
0x65: {  	_ =	shalt  }
0x66: {  	_ =	shalt  }
0x67: {  	_ =	shalt  }
0x68: {  	_ =	shalt  }
0x69: {  	_ =	shalt  }
0x6a: {  	_ =	shalt  }
0x6b: {  	_ =	shalt  }
0x6c: {  	_ =	shalt  }
0x6d: {  	_ =	shalt  }
0x6e: {  	_ =	shalt  }
0x6f: {  	_ =	shalt  }
0x70: {  	_ =	shalt  }
0x71: {  	_ =	shalt  }
0x72: {  	_ =	shalt  }
0x73: {  	_ =	shalt  }
0x74: {  	_ =	shalt  }
0x75: {  	_ =	shalt  }
0x76: {  	_ =	shalt  }
0x77: {  	_ =	shalt  }
0x78: {  	_ =	shalt  }
0x79: {  	_ =	shalt  }
0x7a: {  	_ =	shalt  }
0x7b: {  	_ =	shalt  }
0x7c: {  	_ =	shalt  }
0x7d: {  	_ =	shalt  }
0x7e: {  	_ =	shalt  }
0x7f: {  	_ =	shalt  }
0x80: {  	_ =	shalt  }
0x81: {  	_ =	shalt  }
0x82: {  	_ =	shalt  }
0x83: {  	_ =	shalt  }
0x84: {  	_ =	shalt  }
0x85: {  	_ =	shalt  }
0x86: {  	_ =	shalt  }
0x87: {  	_ =	shalt  }
.Lfunc_end0:
.L_simem_size_0:
called_computation_lowered:
.L_overlay_start_0:
0x88: {  	s2 =	sld [smem:$0x3FD9]  }
0x89: {  	s3 =	sld [smem:$0x3FFE];
	_ =	sdelay $0x1  }
0x8a: {  	s1 =	srdreg.scid  }
0x8b: {  	s0 =	sand.u32 $0x1, s1  }
0x8c: {  	s17 =	sshll.u32 s0, $0xA;
	s2 =	sadd.s32 s3, s2  }
0x8d: {  	s2 =	sadd.s32 s2, s17  }
0x8e: {  	[smem:$0x3FC2] =	sst s2  }
0x8f: {  	_ = 	snop  }
0x90: {  	s2 =	sld [smem:$0x3FD0];
	(tm) =	ssettm $0x1  }
0x91: {  	s18 =	sld [smem:$0x3FFB];
	_ =	sdelay $0x3  }
0x92: {  	_ =	strace s18  }
0x93: {  	s3 =	sld [smem:$0x3FFC];
	_ =	sdelay $0x3  }
0x94: {  	_ =	strace s3  }
0x95: {  	s3 =	sld [smem:$0x3FFD];
	_ =	sdelay $0x3  }
0x96: {  	_ =	strace s3  }
0x97: {  	_ =	strace $0x8FFFFFFF  }
0x98: {  	s19 =	sld [smem:$0x3FDB];
	_ =	sdelay $0x1  }
0x99: {  	s4 =	simm.s32 $_scs_section_size  }
0x9a: {  	s5 =	simm.s32 $_size__tile_overlayer_lowered;
	s6 =	simm.s32 $_tile_overlayer_lowered  }
0x9b: {  	s22 =	simm.s32 $0x1BFF;
	s21 =	sshll.u32 s6, $0x1;
	s3 =	sadd.s32 s4, s19  }
0x9c: {  	s7 =	simm.s32 $0x0;
	s20 =	sshll.u32 s5, $0x1;
	s5 =	sadd.s32 s21, s3  }
0x9d: {  	[timem:s7], [sflag:s22] =	dma.local [hbm:s5], s20  }
0x9e: {  	_ =	swait.ge [sflag:s22], s20  }
0x9f: {  	s4 =	ssub.s32 $0x0, s20;
	[sflag:s22] =	ssyncset.done $0x0  }
0xa0: {  	[sflag:s22] =	ssyncadd.s32 s4;
	_ =	sdelay $0x1  }
0xa1: {  	s23 =	simm.s32 $0x1B8B  }
0xa2: {  	_ =	swait.ge [sflag:s23], $0x1  }
0xa3: {  	[sflag:s23] =	ssyncset.done $0x0  }
0xa4: {  	s25 =	simm.s32 $0x1B8E;
	s24 =	sld [smem:$0x3FFE];
	[sflag:s23] =	ssyncadd.s32 $0xFFFFFFFF  }
0xa5: {  	s26 =	simm.s32 $execute0_lowered;
	[smem:$0x3FD2] =	sst s25  }
0xa6: {  	s5 =	sshll.u32 s26, $0x1;
	_ =	strace $0x80000046;
	[dreg:$0x1] =	wrdreg $0xFFFFFFFF  }
0xa7: {  	s28 =	simm.s32 $_size_execute0_lowered;
	s3 =	sadd.s32 s3, s5;
	[dreg:$0x0] =	wrdreg $0x0  }
0xa8: {  	s5 =	sshll.u32 s28, $0x1;
	[dreg:$0x2] =	wrdreg s3  }
0xa9: {  	[dreg:$0x3] =	wrdreg s5  }
0xaa: {  	[dreg:$0x4] =	wrdreg $0xC0  }
0xab: {  	_ =	task [dreg:s7], $0x5FFFF  }
0xac: {  	[dreg:$0x1] =	wrdreg $0xFFFFFFFF  }
0xad: {  	[dreg:$0x0] =	wrdreg $0x60  }
0xae: {  	[dreg:$0x2] =	wrdreg s24  }
0xaf: {  	[dreg:$0x3] =	wrdreg s2  }
0xb0: {  	[dreg:$0x4] =	wrdreg $0x9  }
0xb1: {  	_ =	task.clear_ibuf [dreg:s7], $0x5FFFF;
	_ =	strace $0x90000046  }
0xb2: {  	s29 =	simm.s32 $0x9;
	_ =	strace $0x80000048  }
0xb3: {  	_ =	swait.ge [sflag:s29], $0x1  }
0xb4: {  	[sflag:s29] =	ssyncadd.s32 $0xFFFFFFFF  }
0xb5: {  	_ =	strace $0x90000048  }
0xb6: {  	_ =	sfence  }
0xb7: {  	s30 =	sld [smem:$0x0];
	_ =	sdelay $0x2  }
0xb8: {  	s31 =	sshll.u32 s1, $0xD;
	s1 =	sshrl.u32 s1, $0x2  }
0xb9: {  	s3 =	sand.u32 $0x4000, s31;
	s1 =	sadd.s32 s1, s30  }
0xba: {  	s0 =	sor.u32 s3, s0;
	s1 =	sshll.u32 s1, $0x11  }
0xbb: {  	s0 =	sor.u32 s1, s0  }
0xbc: {  	s0 =	sadd.s32 $0x8F2B, s0  }
0xbd: {  	[sflag:s0] =	ssyncadd.remote.s32 $0x1  }
0xbe: {  	_ =	sfence.sel $0xFFFF  }
0xbf: {  	[dreg:$0x0] =	wrdreg $0xFFFFFFFF;
	(pc) =	sbr.abs _section_cstart, $3  }
0xc0: {  	[dreg:$0x1] =	wrdreg $0xFFFFFFFF  }
0xc1: {  	_ =	task.clear_ibuf [dreg:s7], $0x2FFFF;
	_ =	strace $0x9FFFFFFF  }
0xc2: {  	(tm) =	ssettm $0x7FFFFFFF  }
0xc3: {  	_ =	shalt  }
tec
execute0_lowered:
.L_overlay_start_1:
0x0: {  	(tag) =	ssettag $0x1  }
0x1: {  	s0 =	srdreg.scid;
	s6 =	rddreg [dreg:$0x0]  }
0x2: {  	s5 =	stileid.u32;
	s2 =	rddreg [dreg:$0x1]  }
0x3: {  	s3 =	simm.s32 $0x0;
	s19 =	simm.s32 $0x80;
	s25 =	simm.s32 $0x8D00  }
0x4: {  	s20 =	simm.s32 $0x7D00;
	s26 =	simm.s32 $0xAD00;
	s21 =	simm.s32 $0x9D00  }
0x5: {  	s31 =	simm.s32 $0xCD00;
	s22 =	simm.s32 $0xBD00;
	s28 =	simm.s32 $0x1  }
0x6: {  	s29 =	simm.s32 $0x20;
	s30 =	simm.s32 $0x0;
	s0 =	sand.u32 $0x1, s0  }
0x7: {  	s1 =	sshll.u32 s5, $0x1;
	s7 =	smul.u32 $0x32000, s5;
	s4 =	sadd.s32 $0x1313C00, s6  }
0x8: {  	[smem:$0x7FF] =	sst s3;
	s8 =	smul.u32 $0x6400, s5;
	s5 =	sadd.s32 $0xF43200, s6  }
0x9: {  	s1 =	sor.u32 s0, s1;
	_ =	strace $0x80000047;
	[dreg:$0x3] =	wrdreg s25  }
0xa: {  	s9 =	ssub.s32 $0x2, s0;
	s14 =	smul.u32 $0x3200, s0;
	[dreg:$0x4] =	wrdreg s26  }
0xb: {  	s0 =	smul.u32 $0x19000, s0;
	[dreg:$0x5] =	wrdreg s31;
	s25 =	simm.s32 $0xFD00  }
0xc: {  	s26 =	simm.s32 $0x10500;
	s1 =	smul.u32 $0x1900, s1;
	s23 =	sshrl.u32 s9, $0x1  }
0xd: {  	s12 =	sadd.s32 s7, s6;
	s13 =	sadd.s32 s8, s6;
	s11 =	ssub.s32 s9, s23  }
0xe: {  	s24 =	sadd.s32 s14, s13;
	s0 =	sadd.s32 s0, s12;
	s14 =	simm.s32 $0x2  }
0xf: {  	s23 =	simm.s32 $0xDD00;
	s1 =	sshrl.u32 s1, $0x3;
	s11 =	smax.u32 s11, $0x1  }
0x10: {  	s12 =	sadd.s32 $0x20200, s24;
	s13 =	sadd.s32 $0x8420C, s0;
	s1 =	sadd.s32 s1, s6  }
0x11: {  	s24 =	simm.s32 $0xED00;
	s6 =	sadd.s32 $0xE00, s1;
	s7 =	sadd.s32 $0x7200, s1  }
0x12: {  	s8 =	sadd.s32 $0xD600, s1;
	s9 =	sadd.s32 $0x13A00, s1;
	s10 =	sadd.s32 $0x19E00, s1  }
.LBB2_1:
0x13: {  	[tilespmem:s3], [sflag:$0x2] =	stream.linear.gather [hbm4b:s6+s3], $0x1900, $0x38;
	[tilespmem:$0x10D00] =	vst v63  }
0x14: {  	_ =	swait.ge [sflag:s14], $0x1900  }
0x15: {  	[sflag:s14] =	ssyncset.done $0x0  }
0x16: {  	s0 =	simm.s32 $0x1900;
	[sflag:s14] =	ssyncadd.s32 $0xFFFFE700  }
0x17: {  	[tilespmem:s0], [sflag:$0x2] =	stream.linear.gather [hbm4b:s7+s3], $0x1900, $0x38;
	[tilespmem:$0x10D00] =	vst v63  }
0x18: {  	_ =	swait.ge [sflag:s14], $0x1900  }
0x19: {  	[sflag:s14] =	ssyncset.done $0x0  }
0x1a: {  	s15 =	simm.s32 $0x3200;
	[sflag:s14] =	ssyncadd.s32 $0xFFFFE700  }
0x1b: {  	[tilespmem:s15], [sflag:$0x2] =	stream.linear.gather [hbm4b:s8+s3], $0x1900, $0x38;
	[tilespmem:$0x10D00] =	vst v63  }
0x1c: {  	_ =	swait.ge [sflag:s14], $0x1900  }
0x1d: {  	[sflag:s14] =	ssyncset.done $0x0  }
0x1e: {  	s16 =	simm.s32 $0x4B00;
	[sflag:s14] =	ssyncadd.s32 $0xFFFFE700  }
0x1f: {  	[tilespmem:s16], [sflag:$0x2] =	stream.linear.gather [hbm4b:s9+s3], $0x1900, $0x38;
	[tilespmem:$0x10D00] =	vst v63  }
0x20: {  	_ =	swait.ge [sflag:s14], $0x1900  }
0x21: {  	[sflag:s14] =	ssyncset.done $0x0  }
0x22: {  	s17 =	simm.s32 $0x6400;
	[sflag:s14] =	ssyncadd.s32 $0xFFFFE700  }
0x23: {  	[tilespmem:s17], [sflag:$0x2] =	stream.linear.gather [hbm4b:s10+s3], $0x1900, $0x38;
	[tilespmem:$0x10D00] =	vst v63  }
0x24: {  	_ =	swait.ge [sflag:s14], $0x1900  }
0x25: {  	[sflag:s14] =	ssyncset.done $0x0  }
0x26: {  	s18 =	simm.s32 $0x0;
	[sflag:s14] =	ssyncadd.s32 $0xFFFFE700  }
0x27: {  	[tilespmem:s20], [sflag:$0x1] =	stream.indirect.gather [hbm4b:s4+s19], $0x20, s18, s19, $0xb8;
	[tilespmem:$0x10D00] =	vst v63  }
0x28: {  	s15 =	simm.s32 $0x80;
	s1 =	rddreg [dreg:$0x3]  }
0x29: {  	[tilespmem:s1], [sflag:$0x1] =	stream.indirect.gather [hbm4b:s4+s19], $0x20, s15, s19, $0xb8;
	[tilespmem:$0x10D00] =	vst v63  }
0x2a: {  	s16 =	simm.s32 $0x4B00  }
0x2b: {  	[tilespmem:s21], [sflag:$0x1] =	stream.indirect.gather [hbm4b:s4+s19], $0x20, s16, s19, $0xb8;
	[tilespmem:$0x10D00] =	vst v63  }
0x2c: {  	s17 =	rddreg [dreg:$0x4];
	s18 =	simm.s32 $0x4B80  }
0x2d: {  	[tilespmem:s17], [sflag:$0x1] =	stream.indirect.gather [hbm4b:s4+s19], $0x20, s18, s19, $0xb8;
	[tilespmem:$0x10D00] =	vst v63  }
0x2e: {  	s1 =	simm.s32 $0x1900  }
0x2f: {  	[tilespmem:s22], [sflag:$0x1] =	stream.indirect.gather [hbm4b:s5+s19], $0x20, s1, s19, $0xb8;
	[tilespmem:$0x10D00] =	vst v63  }
0x30: {  	s15 =	rddreg [dreg:$0x5];
	s16 =	simm.s32 $0x1980  }
0x31: {  	[tilespmem:s15], [sflag:$0x1] =	stream.indirect.gather [hbm4b:s5+s19], $0x20, s16, s19, $0xb8;
	[tilespmem:$0x10D00] =	vst v63  }
0x32: {  	s17 =	simm.s32 $0x3200  }
0x33: {  	[tilespmem:s23], [sflag:$0x1] =	stream.indirect.gather [hbm4b:s5+s19], $0x20, s17, s19, $0xb8;
	[tilespmem:$0x10D00] =	vst v63  }
0x34: {  	s18 =	simm.s32 $0x3280  }
0x35: {  	[tilespmem:s24], [sflag:$0x1] =	stream.indirect.gather [hbm4b:s5+s19], $0x20, s18, s19, $0xb8;
	[tilespmem:$0x10D00] =	vst v63  }
0x36: {  	s1 =	simm.s32 $0x6400  }
0x37: {  	[tilespmem:s25], [sflag:$0x1] =	stream.indirect.gather [hbm4b:s2+s19], $0x10, s1, s19, $0xb8;
	[tilespmem:$0x10D00] =	vst v63  }
0x38: {  	s15 =	simm.s32 $0x6480  }
0x39: {  	[tilespmem:s26], [sflag:$0x1] =	stream.indirect.gather [hbm4b:s2+s19], $0x10, s15, s19, $0xb8;
	[tilespmem:$0x10D00] =	vst v63  }
0x3a: {  	_ =	swait.ge [sflag:s28], $0x1000  }
0x3b: {  	[sflag:s28] =	ssyncset.done $0x0  }
0x3c: {  	[sflag:s28] =	ssyncadd.s32 $0xFFFFF000  }
0x3d: {  	_ =	swait.ge [sflag:s28], $0x1000  }
0x3e: {  	[sflag:s28] =	ssyncset.done $0x0  }
0x3f: {  	[sflag:s28] =	ssyncadd.s32 $0xFFFFF000  }
0x40: {  	_ =	swait.ge [sflag:s28], $0x1000  }
0x41: {  	[sflag:s28] =	ssyncset.done $0x0  }
0x42: {  	[sflag:s28] =	ssyncadd.s32 $0xFFFFF000  }
0x43: {  	_ =	swait.ge [sflag:s28], $0x1000  }
0x44: {  	[sflag:s28] =	ssyncset.done $0x0  }
0x45: {  	[sflag:s28] =	ssyncadd.s32 $0xFFFFF000  }
0x46: {  	_ =	swait.ge [sflag:s28], $0x1000  }
0x47: {  	[sflag:s28] =	ssyncset.done $0x0  }
0x48: {  	[sflag:s28] =	ssyncadd.s32 $0xFFFFF000  }
0x49: {  	_ =	swait.ge [sflag:s28], $0x1000  }
0x4a: {  	[sflag:s28] =	ssyncset.done $0x0  }
0x4b: {  	[sflag:s28] =	ssyncadd.s32 $0xFFFFF000  }
0x4c: {  	_ =	swait.ge [sflag:s28], $0x1000  }
0x4d: {  	[sflag:s28] =	ssyncset.done $0x0  }
0x4e: {  	[sflag:s28] =	ssyncadd.s32 $0xFFFFF000  }
0x4f: {  	_ =	swait.ge [sflag:s28], $0x1000  }
0x50: {  	[sflag:s28] =	ssyncset.done $0x0  }
0x51: {  	[sflag:s28] =	ssyncadd.s32 $0xFFFFF000  }
0x52: {  	_ =	swait.ge [sflag:s28], $0x800  }
0x53: {  	[sflag:s28] =	ssyncset.done $0x0  }
0x54: {  	[sflag:s28] =	ssyncadd.s32 $0xFFFFF800  }
0x55: {  	_ =	swait.ge [sflag:s28], $0x800  }
0x56: {  	[sflag:s28] =	ssyncset.done $0x0  }
0x57: {  	s16 =	sadd.s32 $0xFFFFFFF4, s13;
	[sflag:s28] =	ssyncadd.s32 $0xFFFFF800  }
0x58: {  	[hbm4b:s16+s29] =	stream.strided.scatter [tilespmem:s20], [sflag:$0x2], $0x2000, s19, s29, $0x38;
	[tilespmem:$0x10D00] =	vst v63  }
0x59: {  	_ =	swait.ge [sflag:s14], $0x2000  }
0x5a: {  	[sflag:s14] =	ssyncset.done $0x0  }
0x5b: {  	s17 =	sadd.s32 $0xFFFFFFF8, s13;
	[sflag:s14] =	ssyncadd.s32 $0xFFFFE000  }
0x5c: {  	[hbm4b:s17+s29] =	stream.strided.scatter [tilespmem:s21], [sflag:$0x2], $0x2000, s19, s29, $0x38;
	[tilespmem:$0x10D00] =	vst v63  }
0x5d: {  	_ =	swait.ge [sflag:s14], $0x2000  }
0x5e: {  	[sflag:s14] =	ssyncset.done $0x0  }
0x5f: {  	s18 =	sadd.s32 $0xFFFFFFFC, s13;
	[sflag:s14] =	ssyncadd.s32 $0xFFFFE000  }
0x60: {  	[hbm4b:s18+s29] =	stream.strided.scatter [tilespmem:s22], [sflag:$0x2], $0x2000, s19, s29, $0x38;
	[tilespmem:$0x10D00] =	vst v63  }
0x61: {  	_ =	swait.ge [sflag:s14], $0x2000  }
0x62: {  	[sflag:s14] =	ssyncset.done $0x0  }
0x63: {  	[sflag:s14] =	ssyncadd.s32 $0xFFFFE000  }
0x64: {  	[hbm4b:s13+s29] =	stream.strided.scatter [tilespmem:s23], [sflag:$0x2], $0x2000, s19, s29, $0x38;
	[tilespmem:$0x10D00] =	vst v63  }
0x65: {  	_ =	swait.ge [sflag:s14], $0x2000  }
0x66: {  	[sflag:s14] =	ssyncset.done $0x0  }
0x67: {  	[sflag:s14] =	ssyncadd.s32 $0xFFFFE000  }
0x68: {  	[hbm4b:s12+s3] =	stream.linear.scatter [tilespmem:s25], [sflag:$0x2], $0x1000, $0x38;
	[tilespmem:$0x10D00] =	vst v63  }
0x69: {  	s31 =	sadd.s32 $0x200, s12;
	s0 =	simm.s32 $0x800;
	_ =	swait.ge [sflag:s14], $0x1000  }
0x6a: {  	s1 =	sadd.s32 $0x1000, s13;
	s15 =	simm.s32 $0x400;
	[sflag:s14] =	ssyncset.done $0x0  }
.LBB2_2:
0x6b: {  	s16 =	sshra.s32 s15, $0x2;
	[sflag:s14] =	ssyncadd.s32 $0xFFFFF000  }
0x6c: {  	[tilespmem:s20], [sflag:$0x1] =	stream.indirect.gather [hbm4b:s4+s19], $0x20, s16, s19, $0xb8;
	[tilespmem:$0x10D00] =	vst v63  }
0x6d: {  	s17 =	rddreg [dreg:$0x3];
	s18 =	sadd.s32 $0x80, s16  }
0x6e: {  	[tilespmem:s17], [sflag:$0x1] =	stream.indirect.gather [hbm4b:s4+s19], $0x20, s18, s19, $0xb8;
	[tilespmem:$0x10D00] =	vst v63  }
0x6f: {  	s17 =	sadd.s32 $0x4B00, s16  }
0x70: {  	[tilespmem:s21], [sflag:$0x1] =	stream.indirect.gather [hbm4b:s4+s19], $0x20, s17, s19, $0xb8;
	[tilespmem:$0x10D00] =	vst v63  }
0x71: {  	s18 =	rddreg [dreg:$0x4];
	s17 =	sadd.s32 $0x4B80, s16  }
0x72: {  	[tilespmem:s18], [sflag:$0x1] =	stream.indirect.gather [hbm4b:s4+s19], $0x20, s17, s19, $0xb8;
	[tilespmem:$0x10D00] =	vst v63  }
0x73: {  	s17 =	sadd.s32 $0x1900, s16  }
0x74: {  	[tilespmem:s22], [sflag:$0x1] =	stream.indirect.gather [hbm4b:s5+s19], $0x20, s17, s19, $0xb8;
	[tilespmem:$0x10D00] =	vst v63  }
0x75: {  	s18 =	rddreg [dreg:$0x5];
	s17 =	sadd.s32 $0x1980, s16  }
0x76: {  	[tilespmem:s18], [sflag:$0x1] =	stream.indirect.gather [hbm4b:s5+s19], $0x20, s17, s19, $0xb8;
	[tilespmem:$0x10D00] =	vst v63  }
0x77: {  	s18 =	sadd.s32 $0x3200, s16  }
0x78: {  	[tilespmem:s23], [sflag:$0x1] =	stream.indirect.gather [hbm4b:s5+s19], $0x20, s18, s19, $0xb8;
	[tilespmem:$0x10D00] =	vst v63  }
0x79: {  	s18 =	sadd.s32 $0x3280, s16  }
0x7a: {  	[tilespmem:s24], [sflag:$0x1] =	stream.indirect.gather [hbm4b:s5+s19], $0x20, s18, s19, $0xb8;
	[tilespmem:$0x10D00] =	vst v63  }
0x7b: {  	s18 =	sadd.s32 $0x6400, s16  }
0x7c: {  	[tilespmem:s25], [sflag:$0x1] =	stream.indirect.gather [hbm4b:s2+s19], $0x10, s18, s19, $0xb8;
	[tilespmem:$0x10D00] =	vst v63  }
0x7d: {  	s16 =	sadd.s32 $0x6480, s16  }
0x7e: {  	[tilespmem:s26], [sflag:$0x1] =	stream.indirect.gather [hbm4b:s2+s19], $0x10, s16, s19, $0xb8;
	[tilespmem:$0x10D00] =	vst v63  }
0x7f: {  	_ =	swait.ge [sflag:s28], $0x1000  }
0x80: {  	[sflag:s28] =	ssyncset.done $0x0  }
0x81: {  	[sflag:s28] =	ssyncadd.s32 $0xFFFFF000  }
0x82: {  	_ =	swait.ge [sflag:s28], $0x1000  }
0x83: {  	[sflag:s28] =	ssyncset.done $0x0  }
0x84: {  	[sflag:s28] =	ssyncadd.s32 $0xFFFFF000  }
0x85: {  	_ =	swait.ge [sflag:s28], $0x1000  }
0x86: {  	[sflag:s28] =	ssyncset.done $0x0  }
0x87: {  	[sflag:s28] =	ssyncadd.s32 $0xFFFFF000  }
0x88: {  	_ =	swait.ge [sflag:s28], $0x1000  }
0x89: {  	[sflag:s28] =	ssyncset.done $0x0  }
0x8a: {  	[sflag:s28] =	ssyncadd.s32 $0xFFFFF000  }
0x8b: {  	_ =	swait.ge [sflag:s28], $0x1000  }
0x8c: {  	[sflag:s28] =	ssyncset.done $0x0  }
0x8d: {  	[sflag:s28] =	ssyncadd.s32 $0xFFFFF000  }
0x8e: {  	_ =	swait.ge [sflag:s28], $0x1000  }
0x8f: {  	[sflag:s28] =	ssyncset.done $0x0  }
0x90: {  	[sflag:s28] =	ssyncadd.s32 $0xFFFFF000  }
0x91: {  	_ =	swait.ge [sflag:s28], $0x1000  }
0x92: {  	[sflag:s28] =	ssyncset.done $0x0  }
0x93: {  	[sflag:s28] =	ssyncadd.s32 $0xFFFFF000  }
0x94: {  	_ =	swait.ge [sflag:s28], $0x1000  }
0x95: {  	[sflag:s28] =	ssyncset.done $0x0  }
0x96: {  	[sflag:s28] =	ssyncadd.s32 $0xFFFFF000  }
0x97: {  	_ =	swait.ge [sflag:s28], $0x800  }
0x98: {  	[sflag:s28] =	ssyncset.done $0x0  }
0x99: {  	[sflag:s28] =	ssyncadd.s32 $0xFFFFF800  }
0x9a: {  	_ =	swait.ge [sflag:s28], $0x800  }
0x9b: {  	[sflag:s28] =	ssyncset.done $0x0  }
0x9c: {  	s18 =	sadd.s32 $0xFFFFFFF4, s1;
	[sflag:s28] =	ssyncadd.s32 $0xFFFFF800  }
0x9d: {  	[hbm4b:s18+s29] =	stream.strided.scatter [tilespmem:s20], [sflag:$0x2], $0x2000, s19, s29, $0x38;
	[tilespmem:$0x10D00] =	vst v63  }
0x9e: {  	_ =	swait.ge [sflag:s14], $0x2000  }
0x9f: {  	[sflag:s14] =	ssyncset.done $0x0  }
0xa0: {  	s17 =	sadd.s32 $0xFFFFFFF8, s1;
	[sflag:s14] =	ssyncadd.s32 $0xFFFFE000  }
0xa1: {  	[hbm4b:s17+s29] =	stream.strided.scatter [tilespmem:s21], [sflag:$0x2], $0x2000, s19, s29, $0x38;
	[tilespmem:$0x10D00] =	vst v63  }
0xa2: {  	_ =	swait.ge [sflag:s14], $0x2000  }
0xa3: {  	[sflag:s14] =	ssyncset.done $0x0  }
0xa4: {  	s18 =	sadd.s32 $0xFFFFFFFC, s1;
	[sflag:s14] =	ssyncadd.s32 $0xFFFFE000  }
0xa5: {  	[hbm4b:s18+s29] =	stream.strided.scatter [tilespmem:s22], [sflag:$0x2], $0x2000, s19, s29, $0x38;
	[tilespmem:$0x10D00] =	vst v63  }
0xa6: {  	_ =	swait.ge [sflag:s14], $0x2000  }
0xa7: {  	[sflag:s14] =	ssyncset.done $0x0  }
0xa8: {  	[sflag:s14] =	ssyncadd.s32 $0xFFFFE000  }
0xa9: {  	[hbm4b:s1+s29] =	stream.strided.scatter [tilespmem:s23], [sflag:$0x2], $0x2000, s19, s29, $0x38;
	[tilespmem:$0x10D00] =	vst v63  }
0xaa: {  	p0 =	sne.s32 s0, $0x6000;
	_ =	swait.ge [sflag:s14], $0x2000  }
.Ltmp0:
0xab: {  	[sflag:s14] =	ssyncset.done $0x0;
	(pc) =	sbr.rel @p0 .LBB2_2-.Ltmp0, $4  }
0xac: {  	[sflag:s14] =	ssyncadd.s32 $0xFFFFE000  }
0xad: {  	[hbm4b:s31+s3] =	stream.linear.scatter [tilespmem:s25], [sflag:$0x2], $0x1000, $0x38;
	[tilespmem:$0x10D00] =	vst v63  }
0xae: {  	s15 =	smov.u32 s0;
	s0 =	sadd.s32 $0x400, s0;
	_ =	swait.ge [sflag:s14], $0x1000  }
0xaf: {  	s1 =	sadd.s32 $0x1000, s1;
	s31 =	sadd.s32 $0x200, s31;
	[sflag:s14] =	ssyncset.done $0x0  }
0xb0: {  	s0 =	sshra.s32 s15, $0x2;
	[sflag:s14] =	ssyncadd.s32 $0xFFFFF000  }
0xb1: {  	[tilespmem:s20], [sflag:$0x1] =	stream.indirect.gather [hbm4b:s4+s19], $0x20, s0, s19, $0xb8;
	[tilespmem:$0x10D00] =	vst v63  }
0xb2: {  	s18 =	rddreg [dreg:$0x3];
	s16 =	sadd.s32 $0x80, s0  }
0xb3: {  	[tilespmem:s18], [sflag:$0x1] =	stream.indirect.gather [hbm4b:s4+s19], $0x20, s16, s19, $0xb8;
	[tilespmem:$0x10D00] =	vst v63  }
0xb4: {  	s16 =	sadd.s32 $0x4B00, s0  }
0xb5: {  	[tilespmem:s21], [sflag:$0x1] =	stream.indirect.gather [hbm4b:s4+s19], $0x20, s16, s19, $0xb8;
	[tilespmem:$0x10D00] =	vst v63  }
0xb6: {  	s17 =	rddreg [dreg:$0x4];
	s18 =	sadd.s32 $0x4B80, s0  }
0xb7: {  	[tilespmem:s17], [sflag:$0x1] =	stream.indirect.gather [hbm4b:s4+s19], $0x20, s18, s19, $0xb8;
	[tilespmem:$0x10D00] =	vst v63  }
0xb8: {  	s16 =	sadd.s32 $0x1900, s0  }
0xb9: {  	[tilespmem:s22], [sflag:$0x1] =	stream.indirect.gather [hbm4b:s5+s19], $0x20, s16, s19, $0xb8;
	[tilespmem:$0x10D00] =	vst v63  }
0xba: {  	s17 =	rddreg [dreg:$0x5];
	s18 =	sadd.s32 $0x1980, s0  }
0xbb: {  	[tilespmem:s17], [sflag:$0x1] =	stream.indirect.gather [hbm4b:s5+s19], $0x20, s18, s19, $0xb8;
	[tilespmem:$0x10D00] =	vst v63  }
0xbc: {  	s16 =	sadd.s32 $0x3200, s0  }
0xbd: {  	[tilespmem:s23], [sflag:$0x1] =	stream.indirect.gather [hbm4b:s5+s19], $0x20, s16, s19, $0xb8;
	[tilespmem:$0x10D00] =	vst v63  }
0xbe: {  	s17 =	sadd.s32 $0x3280, s0  }
0xbf: {  	[tilespmem:s24], [sflag:$0x1] =	stream.indirect.gather [hbm4b:s5+s19], $0x20, s17, s19, $0xb8;
	[tilespmem:$0x10D00] =	vst v63  }
0xc0: {  	s18 =	sadd.s32 $0x6400, s0  }
0xc1: {  	[tilespmem:s25], [sflag:$0x1] =	stream.indirect.gather [hbm4b:s2+s19], $0x10, s18, s19, $0xb8;
	[tilespmem:$0x10D00] =	vst v63  }
0xc2: {  	s0 =	sadd.s32 $0x6480, s0  }
0xc3: {  	[tilespmem:s26], [sflag:$0x1] =	stream.indirect.gather [hbm4b:s2+s19], $0x10, s0, s19, $0xb8;
	[tilespmem:$0x10D00] =	vst v63  }
0xc4: {  	_ =	swait.ge [sflag:s28], $0x1000  }
0xc5: {  	[sflag:s28] =	ssyncset.done $0x0  }
0xc6: {  	[sflag:s28] =	ssyncadd.s32 $0xFFFFF000  }
0xc7: {  	_ =	swait.ge [sflag:s28], $0x1000  }
0xc8: {  	[sflag:s28] =	ssyncset.done $0x0  }
0xc9: {  	[sflag:s28] =	ssyncadd.s32 $0xFFFFF000  }
0xca: {  	_ =	swait.ge [sflag:s28], $0x1000  }
0xcb: {  	[sflag:s28] =	ssyncset.done $0x0  }
0xcc: {  	[sflag:s28] =	ssyncadd.s32 $0xFFFFF000  }
0xcd: {  	_ =	swait.ge [sflag:s28], $0x1000  }
0xce: {  	[sflag:s28] =	ssyncset.done $0x0  }
0xcf: {  	[sflag:s28] =	ssyncadd.s32 $0xFFFFF000  }
0xd0: {  	_ =	swait.ge [sflag:s28], $0x1000  }
0xd1: {  	[sflag:s28] =	ssyncset.done $0x0  }
0xd2: {  	[sflag:s28] =	ssyncadd.s32 $0xFFFFF000  }
0xd3: {  	_ =	swait.ge [sflag:s28], $0x1000  }
0xd4: {  	[sflag:s28] =	ssyncset.done $0x0  }
0xd5: {  	[sflag:s28] =	ssyncadd.s32 $0xFFFFF000  }
0xd6: {  	_ =	swait.ge [sflag:s28], $0x1000  }
0xd7: {  	[sflag:s28] =	ssyncset.done $0x0  }
0xd8: {  	[sflag:s28] =	ssyncadd.s32 $0xFFFFF000  }
0xd9: {  	_ =	swait.ge [sflag:s28], $0x1000  }
0xda: {  	[sflag:s28] =	ssyncset.done $0x0  }
0xdb: {  	[sflag:s28] =	ssyncadd.s32 $0xFFFFF000  }
0xdc: {  	_ =	swait.ge [sflag:s28], $0x800  }
0xdd: {  	[sflag:s28] =	ssyncset.done $0x0  }
0xde: {  	[sflag:s28] =	ssyncadd.s32 $0xFFFFF800  }
0xdf: {  	_ =	swait.ge [sflag:s28], $0x800  }
0xe0: {  	[sflag:s28] =	ssyncset.done $0x0  }
0xe1: {  	s16 =	sadd.s32 $0xFFFFFFF4, s1;
	[sflag:s28] =	ssyncadd.s32 $0xFFFFF800  }
0xe2: {  	[hbm4b:s16+s29] =	stream.strided.scatter [tilespmem:s20], [sflag:$0x2], $0x2000, s19, s29, $0x38;
	[tilespmem:$0x10D00] =	vst v63  }
0xe3: {  	_ =	swait.ge [sflag:s14], $0x2000  }
0xe4: {  	[sflag:s14] =	ssyncset.done $0x0  }
0xe5: {  	s17 =	sadd.s32 $0xFFFFFFF8, s1;
	[sflag:s14] =	ssyncadd.s32 $0xFFFFE000  }
0xe6: {  	[hbm4b:s17+s29] =	stream.strided.scatter [tilespmem:s21], [sflag:$0x2], $0x2000, s19, s29, $0x38;
	[tilespmem:$0x10D00] =	vst v63  }
0xe7: {  	_ =	swait.ge [sflag:s14], $0x2000  }
0xe8: {  	[sflag:s14] =	ssyncset.done $0x0  }
0xe9: {  	s18 =	sadd.s32 $0xFFFFFFFC, s1;
	[sflag:s14] =	ssyncadd.s32 $0xFFFFE000  }
0xea: {  	[hbm4b:s18+s29] =	stream.strided.scatter [tilespmem:s22], [sflag:$0x2], $0x2000, s19, s29, $0x38;
	[tilespmem:$0x10D00] =	vst v63  }
0xeb: {  	_ =	swait.ge [sflag:s14], $0x2000  }
0xec: {  	[sflag:s14] =	ssyncset.done $0x0  }
0xed: {  	[sflag:s14] =	ssyncadd.s32 $0xFFFFE000  }
0xee: {  	[hbm4b:s1+s29] =	stream.strided.scatter [tilespmem:s23], [sflag:$0x2], $0x2000, s19, s29, $0x38;
	[tilespmem:$0x10D00] =	vst v63  }
0xef: {  	s30 =	sadd.s32 $0x1, s30;
	_ =	swait.ge [sflag:s14], $0x2000  }
0xf0: {  	p0 =	sne.s32 s30, s11;
	[sflag:s14] =	ssyncset.done $0x0  }
.Ltmp1:
0xf1: {  	[sflag:s14] =	ssyncadd.s32 $0xFFFFE000;
	(pc) =	sbr.rel @p0 .LBB2_1-.Ltmp1, $4  }
0xf2: {  	[hbm4b:s31+s3] =	stream.linear.scatter [tilespmem:s25], [sflag:$0x2], $0x1000, $0x38;
	[tilespmem:$0x10D00] =	vst v63  }
0xf3: {  	_ =	swait.ge [sflag:s14], $0x1000  }
0xf4: {  	[sflag:s14] =	ssyncset.done $0x0  }
0xf5: {  	[sflag:s14] =	ssyncadd.s32 $0xFFFFF000  }
0xf6: {  	_ =	sfence.sel $0x180000  }
0xf7: {  	[bflag:$0x0] =	sbarrier.arrive $0xFFFF  }
0xf8: {  	_ =	strace $0x90000047  }
0xf9: {  	s0 =	stileid.u32;
	[bflag:$0x2] =	sbarrier.arrive $0xFFFF  }
0xfa: {  	p0 =	sne.s32 s0, $0x0;
	s0 =	rddreg [dreg:$0x2]  }
0xfb: {  	s0 =	sadd.s32 @!p0 $0x100000, s0  }
0xfc: {  	[sflag:s0] =	ssyncadd.tile.s32 @!p0 $0x1;
	_ =	shalt  }
.Lfunc_end2:
_tile_overlayer_lowered:
.L_overlay_start_2:
0xfd: {  	(tag) =	ssettag $0x2  }
0xfe: {  	s0 =	rddreg [dreg:$0x0];
	s2 =	stileid.u32  }
0xff: {  	s1 =	rddreg [dreg:$0x1];
	p0 =	sne.s32 s2, $0x0  }
0x100: {  	s3 =	rddreg [dreg:$0x2];
	[bflag:$0x3] =	sbarrier.arrive $0xFFFF;
	s2 =	simm.s32 @!p0 $0x1C02  }
0x101: {  	[timem:s3], [sflag:s2] =	dma.local @!p0 [hbm:s0], s1  }
0x102: {  	s0 =	simm.s32 @!p0 $0x2  }
0x103: {  	_ =	swait.ge @!p0 [sflag:s0], s1  }
0x104: {  	s1 =	ssub.s32 @!p0 $0x0, s1;
	[sflag:s0] =	ssyncset.done @!p0 $0x0  }
0x105: {  	[sflag:s0] =	ssyncadd.s32 @!p0 s1  }
0x106: {  	[bflag:$0x3] =	sbarrier.arrive $0xFFFF  }
0x107: {  	_ =	shalt  }

</sc_bundles>
